<compile_context>
chip_gen: v7x
topology: tpu7x:2x2x1
jax: 0.10.2.dev20260603
libtpu: 0.0.44.dev20260713+nightly
codegen_flags: <defaults>
</compile_context>

<pallas_src>
import functools

import jax
import jax.numpy as jnp
from jax import lax
from jax.experimental import pallas as pl
from jax.experimental.pallas import tpu as pltpu
from jax.experimental.pallas import tpu_sc as plsc

N = 10000
E = 320000
D = 128
NPAD = 10240
NC, NS = 2, 16
NW = NC * NS
C = 128
CHUNKS = 80
EPT = CHUNKS * C
IG = 8
NG = CHUNKS // IG
ROWS_PER_SUB = NPAD // NS

_sc_mesh = plsc.VectorSubcoreMesh(core_axis_name="c", subcore_axis_name="s")


@functools.partial(
    pl.kernel,
    out_type=jax.ShapeDtypeStruct((NC * NPAD,), jnp.float32),
    mesh=_sc_mesh,
    scratch_types=[
        pltpu.VMEM((CHUNKS, C), jnp.int32),
        pltpu.VMEM((C,), jnp.float32),
        pltpu.VMEM((ROWS_PER_SUB,), jnp.float32),
        pltpu.VMEM_SHARED((NPAD,), jnp.float32),
    ],
)
def _sc_histogram(dst_hbm, hist_hbm, idx_v, ones_v, zero_v, hist_sp):
    c = lax.axis_index("c")
    s = lax.axis_index("s")
    wid = c * NS + s

    @pl.loop(0, C, step=16)
    def _(i):
        ones_v[pl.ds(i, 16)] = jnp.ones((16,), jnp.float32)

    @pl.loop(0, ROWS_PER_SUB, step=16)
    def _(i):
        zero_v[pl.ds(i, 16)] = jnp.zeros((16,), jnp.float32)

    pltpu.sync_copy(zero_v, hist_sp.at[pl.ds(s * ROWS_PER_SUB, ROWS_PER_SUB)])
    plsc.subcore_barrier()

    pltpu.sync_copy(dst_hbm.at[pl.ds(wid * CHUNKS, CHUNKS)], idx_v)

    @pl.loop(0, CHUNKS)
    def _(j):
        pltpu.sync_copy(ones_v, hist_sp.at[idx_v.at[j]], add=True)

    plsc.subcore_barrier()
    pltpu.sync_copy(
        hist_sp.at[pl.ds(s * ROWS_PER_SUB, ROWS_PER_SUB)],
        hist_hbm.at[pl.ds(c * NPAD + s * ROWS_PER_SUB, ROWS_PER_SUB)],
    )


@functools.partial(
    pl.kernel,
    out_type=jax.ShapeDtypeStruct((NC, NPAD, D), jnp.float32),
    mesh=_sc_mesh,
    scratch_types=[
        pltpu.VMEM((2, IG, C), jnp.int32),
        pltpu.VMEM((2, IG, C), jnp.int32),
        pltpu.VMEM((C, D), jnp.float32),
        pltpu.VMEM((C, D), jnp.float32),
        pltpu.VMEM_SHARED((NPAD, D), jnp.float32),
        pltpu.SemaphoreType.DMA,
        pltpu.SemaphoreType.DMA,
        pltpu.SemaphoreType.DMA,
    ],
)
def _sc_propagate(hs_hbm, src_hbm, dst_hbm, acc_hbm,
                  src_v, dst_v, buf0, buf1, acc_sp, sem0, sem1, isem):
    c = lax.axis_index("c")
    s = lax.axis_index("s")
    wid = c * NS + s
    base = wid * CHUNKS

    @pl.loop(0, C)
    def _(r):
        @pl.loop(0, D, step=16)
        def _(cc):
            buf0[r, pl.ds(cc, 16)] = jnp.zeros((16,), jnp.float32)

    @pl.loop(0, ROWS_PER_SUB, step=C)
    def _(r):
        pltpu.sync_copy(buf0, acc_sp.at[pl.ds(s * ROWS_PER_SUB + r, C)])

    plsc.subcore_barrier()

    pltpu.sync_copy(src_hbm.at[pl.ds(base, IG)], src_v.at[0])
    pltpu.sync_copy(dst_hbm.at[pl.ds(base, IG)], dst_v.at[0])
    pltpu.async_copy(hs_hbm.at[src_v.at[0, 0]], buf0, sem0)

    @pl.loop(0, NG)
    def _(g):
        p = lax.rem(g, 2)
        pn = 1 - p
        nxt = base + (g + 1) * IG

        @pl.when(g + 1 < NG)
        def _():
            pltpu.async_copy(src_hbm.at[pl.ds(nxt, IG)], src_v.at[pn], isem)
            pltpu.async_copy(dst_hbm.at[pl.ds(nxt, IG)], dst_v.at[pn], isem)

        @pl.loop(0, IG, step=2)
        def _(j):
            pltpu.async_copy(hs_hbm.at[src_v.at[p, j + 1]], buf1, sem1)
            pltpu.make_async_copy(hs_hbm.at[src_v.at[p, j]], buf0, sem0).wait()
            pltpu.sync_copy(buf0, acc_sp.at[dst_v.at[p, j]], add=True)

            @pl.when(j + 2 < IG)
            def _():
                pltpu.async_copy(hs_hbm.at[src_v.at[p, j + 2]], buf0, sem0)

            @pl.when(jnp.logical_and(j + 2 >= IG, g + 1 < NG))
            def _():
                pltpu.make_async_copy(
                    src_hbm.at[pl.ds(nxt, IG)], src_v.at[pn], isem).wait()
                pltpu.make_async_copy(
                    dst_hbm.at[pl.ds(nxt, IG)], dst_v.at[pn], isem).wait()
                pltpu.async_copy(hs_hbm.at[src_v.at[pn, 0]], buf0, sem0)

            pltpu.make_async_copy(
                hs_hbm.at[src_v.at[p, j + 1]], buf1, sem1).wait()
            pltpu.sync_copy(buf1, acc_sp.at[dst_v.at[p, j + 1]], add=True)

    plsc.subcore_barrier()
    pltpu.sync_copy(
        acc_sp.at[pl.ds(s * ROWS_PER_SUB, ROWS_PER_SUB)],
        acc_hbm.at[c].at[pl.ds(s * ROWS_PER_SUB, ROWS_PER_SUB)],
    )


def _mm_body(x_ref, w_ref, o_ref):
    o_ref[...] = jnp.dot(x_ref[...], w_ref[...],
                         preferred_element_type=jnp.float32)


def _scale_body(hist_ref, h_ref, o_ref):
    deg = hist_ref[0] + hist_ref[1] + 2.0
    dinv = lax.rsqrt(deg)
    hb = h_ref[...].reshape(8, 128, D)
    o_ref[...] = (hb * dinv[:, :, None]).reshape(1024, D)


def _final_body(hist_ref, acc_ref, hs_ref, b_ref, o_ref):
    deg = hist_ref[0] + hist_ref[1] + 2.0
    dinv = lax.rsqrt(deg)
    t = acc_ref[0] + acc_ref[1] + 2.0 * hs_ref[...]
    t = (t.reshape(8, 128, D) * dinv[:, :, None]).reshape(1024, D)
    t = jnp.maximum(t + b_ref[...], 0.0)
    m = jnp.max(t, axis=-1, keepdims=True)
    lse = jnp.log(jnp.sum(jnp.exp(t - m), axis=-1, keepdims=True)) + m
    o_ref[...] = t - lse


_GRID = NPAD // 1024
_row_spec = pl.BlockSpec((1024, D), lambda i: (i, 0))
_hist_spec = pl.BlockSpec((2, 8, D), lambda i: (0, i, 0))


@jax.jit
def kernel(x, edge_index, batch, W, b):
    pad = jnp.full((NW, EPT - E // NW), NPAD - 1, jnp.int32)
    src2d = jnp.concatenate(
        [edge_index[0].reshape(NW, E // NW), pad], axis=1).reshape(-1, C)
    dst2d = jnp.concatenate(
        [edge_index[1].reshape(NW, E // NW), pad], axis=1).reshape(-1, C)
    xpad = jnp.pad(x, ((0, NPAD - N), (0, 0)))

    hist = _sc_histogram(dst2d)
    hist3 = hist.reshape(NC, NPAD // D, D)

    h = pl.pallas_call(
        _mm_body,
        grid=(_GRID,),
        in_specs=[_row_spec, pl.BlockSpec((D, D), lambda i: (0, 0))],
        out_specs=_row_spec,
        out_shape=jax.ShapeDtypeStruct((NPAD, D), jnp.float32),
    )(xpad, W)

    hs = pl.pallas_call(
        _scale_body,
        grid=(_GRID,),
        in_specs=[_hist_spec, _row_spec],
        out_specs=_row_spec,
        out_shape=jax.ShapeDtypeStruct((NPAD, D), jnp.float32),
    )(hist3, h)

    acc = _sc_propagate(hs, src2d, dst2d)

    out = pl.pallas_call(
        _final_body,
        grid=(_GRID,),
        in_specs=[_hist_spec,
                  pl.BlockSpec((2, 1024, D), lambda i: (0, i, 0)),
                  _row_spec,
                  pl.BlockSpec((1, D), lambda i: (0, 0))],
        out_specs=_row_spec,
        out_shape=jax.ShapeDtypeStruct((NPAD, D), jnp.float32),
    )(hist3, acc, hs, b.reshape(1, D))

    return out[:N]

# --- scband reference (transcript-rebuilt; emitter-appended) ---
"""Pipeline reference for scband-social-stgcn-22247930594050 (READ-ONLY COPY).

The authoritative reference and input builder live on the scoring server;
editing this copy changes nothing except your own understanding.
"""

import jax, jax.numpy as jnp
import numpy as np

N = 10000
E = 320000
D_IN = 128
D_OUT = 128

def setup_inputs(seed: int = 0) -> dict:
    key = jax.random.key(seed)
    k1, k2, k3 = jax.random.split(key, 3)
    x = jax.random.normal(k1, (N, D_IN), dtype=jnp.float32)
    edge_index = jax.random.randint(k2, (2, E), 0, N, dtype=jnp.int32)
    batch = jnp.zeros((N,), dtype=jnp.int32)
    # GCNConv learned parameters (glorot-style init)
    W = jax.random.normal(k3, (D_IN, D_OUT), dtype=jnp.float32) * (1.0 / np.sqrt(D_IN))
    b = jnp.zeros((D_OUT,), dtype=jnp.float32)
    return {"x": x, "edge_index": edge_index, "batch": batch, "W": W, "b": b}

def reference(x, edge_index, batch, W, b):
    # GCNConv(improved=True, normalize=True, bias=True) -> ReLU -> log_softmax
    src = edge_index[0]
    dst = edge_index[1]
    # add self-loops with weight 2.0 (improved=True)
    loop = jnp.arange(N, dtype=src.dtype)
    src_f = jnp.concatenate([src, loop])
    dst_f = jnp.concatenate([dst, loop])
    ew = jnp.concatenate([jnp.ones((E,), jnp.float32), 2.0 * jnp.ones((N,), jnp.float32)])
    # symmetric normalization: deg computed on destination nodes
    deg = jax.ops.segment_sum(ew, dst_f, num_segments=N)
    deg_inv_sqrt = jnp.where(deg > 0, 1.0 / jnp.sqrt(deg), 0.0)
    norm = deg_inv_sqrt[src_f] * ew * deg_inv_sqrt[dst_f]
    # linear transform then propagate (gather by src, scatter-add to dst)
    h = x @ W
    msg = norm[:, None] * jnp.take(h, src_f, axis=0)
    out = jax.ops.segment_sum(msg, dst_f, num_segments=N) + b
    out = jax.nn.relu(out)
    return jax.nn.log_softmax(out, axis=1)

if __name__ == "__main__":
    import jax
    _d = setup_inputs()
    print(jax.jit(kernel)(*tuple(_d.values())))

</pallas_src>

<mosaic_0001>
#map = affine_map<(d0, d1) -> (0, 0)>
#map1 = affine_map<(d0, d1) -> (0)>
module attributes {stable_mosaic.version = 14 : i64} {
  func.func @_sc_histogram(%arg0: i32, %arg1: i32, %arg2: memref<2560x128xi32, #tpu.memory_space<hbm>>, %arg3: memref<20480xf32, #tpu.memory_space<hbm>>, %arg4: memref<80x128xi32, #tpu.memory_space<vmem>>, %arg5: memref<128xf32, #tpu.memory_space<vmem>>, %arg6: memref<640xf32, #tpu.memory_space<vmem>>, %arg7: memref<10240xf32, #tpu.memory_space<vmem_shared>>) attributes {dimension_semantics = [#tpu.dimension_semantics<core_parallel>, #tpu.dimension_semantics<subcore_parallel>], iteration_bounds = array<i64: 2, 16>, scalar_prefetch = 0 : i64, scratch_operands = 4 : i64, tpu.core_type = #tpu.core_type<sc_vector_subcore>, window_params = [{transform_indices = #map}, {transform_indices = #map1}]} {
    %mul3A = arith.constant 16 : i32
    %mul3A_0 = arith.muli %arg0, %mul3A : i32
    %add3A = arith.addi %mul3A_0, %arg1 : i32
    %scan3A = arith.constant 0 : i32
    %scan3A_1 = arith.constant 8 : i32
    %scan3A_2 = arith.addi %scan3A, %scan3A_1 : i32
    %scan3A_3 = arith.constant 1 : i32
    scf.for %scan3A_27 = %scan3A to %scan3A_2 step %scan3A_3  : i32 {
      %mul3A_28 = arith.constant 16 : i32
      %mul3A_29 = arith.muli %scan3A_27, %mul3A_28 : i32
      %add3A_30 = arith.constant 0 : i32
      %add3A_31 = arith.addi %add3A_30, %mul3A_29 : i32
      %broadcast_in_dim3A = arith.constant 1.000000e+00 : f32
      %broadcast_in_dim3A_32 = vector.broadcast %broadcast_in_dim3A : f32 to vector<16xf32>
      %swap3A = arith.index_cast %add3A_31 : i32 to index
      %swap3A_33 = tpu.vector_load %arg5[%swap3A] {strides = array<i32>} : memref<128xf32, #tpu.memory_space<vmem>>, vector<16xf32>,
      %swap3A_34 = vector.shape_cast %swap3A_33 : vector<16xf32> to vector<16xf32>
      %swap3A_35 = vector.shape_cast %broadcast_in_dim3A_32 : vector<16xf32> to vector<16xf32>
      tpu.vector_store %arg5[%swap3A], %swap3A_35 {strides = array<i32>} : memref<128xf32, #tpu.memory_space<vmem>>, vector<16xf32>,
    }
    %scan3A_4 = arith.constant 8 : i32
    %scan3A_5 = arith.constant 0 : i32
    %scan3A_6 = arith.constant 40 : i32
    %scan3A_7 = arith.addi %scan3A_5, %scan3A_6 : i32
    %scan3A_8 = arith.constant 1 : i32
    scf.for %scan3A_27 = %scan3A_5 to %scan3A_7 step %scan3A_8  : i32 {
      %mul3A_28 = arith.constant 16 : i32
      %mul3A_29 = arith.muli %scan3A_27, %mul3A_28 : i32
      %add3A_30 = arith.constant 0 : i32
      %add3A_31 = arith.addi %add3A_30, %mul3A_29 : i32
      %broadcast_in_dim3A = arith.constant 0.000000e+00 : f32
      %broadcast_in_dim3A_32 = vector.broadcast %broadcast_in_dim3A : f32 to vector<16xf32>
      %swap3A = arith.index_cast %add3A_31 : i32 to index
      %swap3A_33 = tpu.vector_load %arg6[%swap3A] {strides = array<i32>} : memref<640xf32, #tpu.memory_space<vmem>>, vector<16xf32>,
      %swap3A_34 = vector.shape_cast %swap3A_33 : vector<16xf32> to vector<16xf32>
      %swap3A_35 = vector.shape_cast %broadcast_in_dim3A_32 : vector<16xf32> to vector<16xf32>
      tpu.vector_store %arg6[%swap3A], %swap3A_35 {strides = array<i32>} : memref<640xf32, #tpu.memory_space<vmem>>, vector<16xf32>,
    }
    %scan3A_9 = arith.constant 40 : i32
    %mul3A_10 = arith.constant 640 : i32
    %mul3A_11 = arith.muli %arg1, %mul3A_10 : i32
    "tpu.region"() ({
      %run_scoped3A = tpu.sem_alloc : memref<!tpu.dma_semaphore, #tpu.memory_space<semaphore_mem>>
      %dma_start3A = tpu.memref_slice %arg7[%mul3A_11] : memref<10240xf32, #tpu.memory_space<vmem_shared>> -> memref<640xf32, #tpu.memory_space<vmem_shared>>
      %dma_start3A_27 = tpu.memref_slice %arg7[%mul3A_11] : memref<10240xf32, #tpu.memory_space<vmem_shared>> -> memref<640xf32, #tpu.memory_space<vmem_shared>>
      tpu.enqueue_dma source(%arg6 : memref<640xf32, #tpu.memory_space<vmem>>) target(%dma_start3A_27 : memref<640xf32, #tpu.memory_space<vmem_shared>>) target_semaphore(%run_scoped3A : memref<!tpu.dma_semaphore, #tpu.memory_space<semaphore_mem>>)
      %dma_wait3A = tpu.memref_slice %arg7[%mul3A_11] : memref<10240xf32, #tpu.memory_space<vmem_shared>> -> memref<640xf32, #tpu.memory_space<vmem_shared>>
      %dma_wait3A_28 = tpu.memref_slice %arg7[%mul3A_11] : memref<10240xf32, #tpu.memory_space<vmem_shared>> -> memref<640xf32, #tpu.memory_space<vmem_shared>>
      tpu.wait_dma2 semaphore(%run_scoped3A : memref<!tpu.dma_semaphore, #tpu.memory_space<semaphore_mem>>) src(%arg6 : memref<640xf32, #tpu.memory_space<vmem>>) dst(%dma_wait3A_28 : memref<640xf32, #tpu.memory_space<vmem_shared>>)
      tpu.yield
    }) : () -> ()
    %barrier3A = arith.constant 0 : index
    tpu.barrier barrier_id(%barrier3A)
    %mul3A_12 = arith.constant 80 : i32
    %mul3A_13 = arith.muli %add3A, %mul3A_12 : i32
    "tpu.region"() ({
      %run_scoped3A = tpu.sem_alloc : memref<!tpu.dma_semaphore, #tpu.memory_space<semaphore_mem>>
      %dma_start3A = arith.constant 0 : i32
      %dma_start3A_27 = tpu.memref_slice %arg2[%mul3A_13, %dma_start3A] : memref<2560x128xi32, #tpu.memory_space<hbm>> -> memref<80x128xi32, #tpu.memory_space<hbm>>
      %dma_start3A_28 = arith.constant 0 : i32
      %dma_start3A_29 = tpu.memref_slice %arg2[%mul3A_13, %dma_start3A_28] : memref<2560x128xi32, #tpu.memory_space<hbm>> -> memref<80x128xi32, #tpu.memory_space<hbm>>
      tpu.enqueue_dma source(%dma_start3A_29 : memref<80x128xi32, #tpu.memory_space<hbm>>) target(%arg4 : memref<80x128xi32, #tpu.memory_space<vmem>>) target_semaphore(%run_scoped3A : memref<!tpu.dma_semaphore, #tpu.memory_space<semaphore_mem>>)
      %dma_wait3A = arith.constant 0 : i32
      %dma_wait3A_30 = tpu.memref_slice %arg2[%mul3A_13, %dma_wait3A] : memref<2560x128xi32, #tpu.memory_space<hbm>> -> memref<80x128xi32, #tpu.memory_space<hbm>>
      %dma_wait3A_31 = arith.constant 0 : i32
      %dma_wait3A_32 = tpu.memref_slice %arg2[%mul3A_13, %dma_wait3A_31] : memref<2560x128xi32, #tpu.memory_space<hbm>> -> memref<80x128xi32, #tpu.memory_space<hbm>>
      tpu.wait_dma2 semaphore(%run_scoped3A : memref<!tpu.dma_semaphore, #tpu.memory_space<semaphore_mem>>) src(%dma_wait3A_32 : memref<80x128xi32, #tpu.memory_space<hbm>>) dst(%arg4 : memref<80x128xi32, #tpu.memory_space<vmem>>)
      tpu.yield
    }) : () -> ()
    %scan3A_14 = arith.constant 0 : i32
    %scan3A_15 = arith.constant 80 : i32
    %scan3A_16 = arith.addi %scan3A_14, %scan3A_15 : i32
    %scan3A_17 = arith.constant 1 : i32
    scf.for %scan3A_27 = %scan3A_14 to %scan3A_16 step %scan3A_17  : i32 {
      %mul3A_28 = arith.constant 1 : i32
      %mul3A_29 = arith.muli %scan3A_27, %mul3A_28 : i32
      %add3A_30 = arith.constant 0 : i32
      %add3A_31 = arith.addi %add3A_30, %mul3A_29 : i32
      "tpu.region"() ({
        %run_scoped3A = tpu.sem_alloc : memref<!tpu.dma_semaphore, #tpu.memory_space<semaphore_mem>>
        %dma_start3A = arith.constant 0 : i32
        %dma_start3A_32 = tpu.memref_slice %arg4[%add3A_31, %dma_start3A] : memref<80x128xi32, #tpu.memory_space<vmem>> -> memref<1x128xi32, #tpu.memory_space<vmem>>
        %dma_start3A_33 = tpu.memref_squeeze %dma_start3A_32 : memref<1x128xi32, #tpu.memory_space<vmem>> -> memref<128xi32, #tpu.memory_space<vmem>>
        %dma_start3A_34 = arith.constant 0 : i32
        %dma_start3A_35 = tpu.memref_slice %arg7[%dma_start3A_34] : memref<10240xf32, #tpu.memory_space<vmem_shared>> -> memref<10240xf32, #tpu.memory_space<vmem_shared>>
        tpu.enqueue_indirect_dma source(%arg5 : memref<128xf32, #tpu.memory_space<vmem>>) target(%dma_start3A_35 : memref<10240xf32, #tpu.memory_space<vmem_shared>>) offsets(%dma_start3A_33 : memref<128xi32, #tpu.memory_space<vmem>>) semaphore(%run_scoped3A : memref<!tpu.dma_semaphore, #tpu.memory_space<semaphore_mem>>) {add = true}
        %dma_wait3A = arith.constant 0 : i32
        %dma_wait3A_36 = tpu.memref_slice %arg4[%add3A_31, %dma_wait3A] : memref<80x128xi32, #tpu.memory_space<vmem>> -> memref<1x128xi32, #tpu.memory_space<vmem>>
        %dma_wait3A_37 = tpu.memref_squeeze %dma_wait3A_36 : memref<1x128xi32, #tpu.memory_space<vmem>> -> memref<128xi32, #tpu.memory_space<vmem>>
        %dma_wait3A_38 = arith.constant 0 : i32
        %dma_wait3A_39 = tpu.memref_slice %arg7[%dma_wait3A_38] : memref<10240xf32, #tpu.memory_space<vmem_shared>> -> memref<10240xf32, #tpu.memory_space<vmem_shared>>
        tpu.wait_indirect_dma semaphore(%run_scoped3A : memref<!tpu.dma_semaphore, #tpu.memory_space<semaphore_mem>>) src(%arg5 : memref<128xf32, #tpu.memory_space<vmem>>) dst(%dma_wait3A_39 : memref<10240xf32, #tpu.memory_space<vmem_shared>>)
        tpu.yield
      }) : () -> ()
    }
    %scan3A_18 = arith.constant 80 : i32
    %barrier3A_19 = arith.constant 0 : index
    tpu.barrier barrier_id(%barrier3A_19)
    %mul3A_20 = arith.constant 640 : i32
    %mul3A_21 = arith.muli %arg1, %mul3A_20 : i32
    %mul3A_22 = arith.constant 10240 : i32
    %mul3A_23 = arith.muli %arg0, %mul3A_22 : i32
    %mul3A_24 = arith.constant 640 : i32
    %mul3A_25 = arith.muli %arg1, %mul3A_24 : i32
    %add3A_26 = arith.addi %mul3A_23, %mul3A_25 : i32
    "tpu.region"() ({
      %run_scoped3A = tpu.sem_alloc : memref<!tpu.dma_semaphore, #tpu.memory_space<semaphore_mem>>
      %dma_start3A = tpu.memref_slice %arg3[%add3A_26] : memref<20480xf32, #tpu.memory_space<hbm>> -> memref<640xf32, #tpu.memory_space<hbm>>
      %dma_start3A_27 = tpu.memref_slice %arg7[%mul3A_21] : memref<10240xf32, #tpu.memory_space<vmem_shared>> -> memref<640xf32, #tpu.memory_space<vmem_shared>>
      tpu.enqueue_dma source(%dma_start3A_27 : memref<640xf32, #tpu.memory_space<vmem_shared>>) target(%dma_start3A : memref<640xf32, #tpu.memory_space<hbm>>) target_semaphore(%run_scoped3A : memref<!tpu.dma_semaphore, #tpu.memory_space<semaphore_mem>>)
      %dma_wait3A = tpu.memref_slice %arg3[%add3A_26] : memref<20480xf32, #tpu.memory_space<hbm>> -> memref<640xf32, #tpu.memory_space<hbm>>
      %dma_wait3A_28 = tpu.memref_slice %arg7[%mul3A_21] : memref<10240xf32, #tpu.memory_space<vmem_shared>> -> memref<640xf32, #tpu.memory_space<vmem_shared>>
      tpu.wait_dma2 semaphore(%run_scoped3A : memref<!tpu.dma_semaphore, #tpu.memory_space<semaphore_mem>>) src(%dma_wait3A_28 : memref<640xf32, #tpu.memory_space<vmem_shared>>) dst(%dma_wait3A : memref<640xf32, #tpu.memory_space<hbm>>)
      tpu.yield
    }) : () -> ()
    return
  }
}

#map = affine_map<(d0, d1) -> (0, 0)>
#map1 = affine_map<(d0, d1) -> (0, 0, 0)>
module attributes {stable_mosaic.version = 14 : i64} {
  func.func @_sc_propagate(%arg0: i32, %arg1: i32, %arg2: memref<10240x128xf32, #tpu.memory_space<hbm>>, %arg3: memref<2560x128xi32, #tpu.memory_space<hbm>>, %arg4: memref<2560x128xi32, #tpu.memory_space<hbm>>, %arg5: memref<2x10240x128xf32, #tpu.memory_space<hbm>>, %arg6: memref<2x8x128xi32, #tpu.memory_space<vmem>>, %arg7: memref<2x8x128xi32, #tpu.memory_space<vmem>>, %arg8: memref<128x128xf32, #tpu.memory_space<vmem>>, %arg9: memref<128x128xf32, #tpu.memory_space<vmem>>, %arg10: memref<10240x128xf32, #tpu.memory_space<vmem_shared>>, %arg11: memref<!tpu.dma_semaphore, #tpu.memory_space<semaphore_mem>>, %arg12: memref<!tpu.dma_semaphore, #tpu.memory_space<semaphore_mem>>, %arg13: memref<!tpu.dma_semaphore, #tpu.memory_space<semaphore_mem>>) attributes {dimension_semantics = [#tpu.dimension_semantics<core_parallel>, #tpu.dimension_semantics<subcore_parallel>], iteration_bounds = array<i64: 2, 16>, scalar_prefetch = 0 : i64, scratch_operands = 8 : i64, tpu.core_type = #tpu.core_type<sc_vector_subcore>, window_params = [{transform_indices = #map}, {transform_indices = #map}, {transform_indices = #map}, {transform_indices = #map1}]} {
    %mul3A = arith.constant 16 : i32
    %mul3A_0 = arith.muli %arg0, %mul3A : i32
    %add3A = arith.addi %mul3A_0, %arg1 : i32
    %mul3A_1 = arith.constant 80 : i32
    %mul3A_2 = arith.muli %add3A, %mul3A_1 : i32
    %scan3A = arith.constant 0 : i32
    %scan3A_3 = arith.constant 128 : i32
    %scan3A_4 = arith.addi %scan3A, %scan3A_3 : i32
    %scan3A_5 = arith.constant 1 : i32
    scf.for %scan3A_30 = %scan3A to %scan3A_4 step %scan3A_5  : i32 {
      %mul3A_31 = arith.constant 1 : i32
      %mul3A_32 = arith.muli %scan3A_30, %mul3A_31 : i32
      %add3A_33 = arith.constant 0 : i32
      %add3A_34 = arith.addi %add3A_33, %mul3A_32 : i32
      %scan3A_35 = arith.constant 0 : i32
      %scan3A_36 = arith.constant 8 : i32
      %scan3A_37 = arith.addi %scan3A_35, %scan3A_36 : i32
      %scan3A_38 = arith.constant 1 : i32
      scf.for %scan3A_40 = %scan3A_35 to %scan3A_37 step %scan3A_38  : i32 {
        %mul3A_41 = arith.constant 16 : i32
        %mul3A_42 = arith.muli %scan3A_40, %mul3A_41 : i32
        %add3A_43 = arith.constant 0 : i32
        %add3A_44 = arith.addi %add3A_43, %mul3A_42 : i32
        %broadcast_in_dim3A = arith.constant 0.000000e+00 : f32
        %broadcast_in_dim3A_45 = vector.broadcast %broadcast_in_dim3A : f32 to vector<16xf32>
        %swap3A = arith.index_cast %add3A_34 : i32 to index
        %swap3A_46 = arith.index_cast %add3A_44 : i32 to index
        %swap3A_47 = tpu.vector_load %arg8[%swap3A, %swap3A_46] {strides = array<i32>} : memref<128x128xf32, #tpu.memory_space<vmem>>, vector<1x16xf32>,
        %swap3A_48 = vector.shape_cast %swap3A_47 : vector<1x16xf32> to vector<16xf32>
        %swap3A_49 = vector.shape_cast %broadcast_in_dim3A_45 : vector<16xf32> to vector<1x16xf32>
        tpu.vector_store %arg8[%swap3A, %swap3A_46], %swap3A_49 {strides = array<i32>} : memref<128x128xf32, #tpu.memory_space<vmem>>, vector<1x16xf32>,
      }
      %scan3A_39 = arith.constant 8 : i32
    }
    %scan3A_6 = arith.constant 128 : i32
    %scan3A_7 = arith.constant 0 : i32
    %scan3A_8 = arith.constant 5 : i32
    %scan3A_9 = arith.addi %scan3A_7, %scan3A_8 : i32
    %scan3A_10 = arith.constant 1 : i32
    scf.for %scan3A_30 = %scan3A_7 to %scan3A_9 step %scan3A_10  : i32 {
      %mul3A_31 = arith.constant 128 : i32
      %mul3A_32 = arith.muli %scan3A_30, %mul3A_31 : i32
      %add3A_33 = arith.constant 0 : i32
      %add3A_34 = arith.addi %add3A_33, %mul3A_32 : i32
      %mul3A_35 = arith.constant 640 : i32
      %mul3A_36 = arith.muli %arg1, %mul3A_35 : i32
      %add3A_37 = arith.addi %mul3A_36, %add3A_34 : i32
      "tpu.region"() ({
        %run_scoped3A_38 = tpu.sem_alloc : memref<!tpu.dma_semaphore, #tpu.memory_space<semaphore_mem>>
        %dma_start3A_39 = arith.constant 0 : i32
        %dma_start3A_40 = tpu.memref_slice %arg10[%add3A_37, %dma_start3A_39] : memref<10240x128xf32, #tpu.memory_space<vmem_shared>> -> memref<128x128xf32, #tpu.memory_space<vmem_shared>>
        %dma_start3A_41 = arith.constant 0 : i32
        %dma_start3A_42 = tpu.memref_slice %arg10[%add3A_37, %dma_start3A_41] : memref<10240x128xf32, #tpu.memory_space<vmem_shared>> -> memref<128x128xf32, #tpu.memory_space<vmem_shared>>
        tpu.enqueue_dma source(%arg8 : memref<128x128xf32, #tpu.memory_space<vmem>>) target(%dma_start3A_42 : memref<128x128xf32, #tpu.memory_space<vmem_shared>>) target_semaphore(%run_scoped3A_38 : memref<!tpu.dma_semaphore, #tpu.memory_space<semaphore_mem>>)
        %dma_wait3A = arith.constant 0 : i32
        %dma_wait3A_43 = tpu.memref_slice %arg10[%add3A_37, %dma_wait3A] : memref<10240x128xf32, #tpu.memory_space<vmem_shared>> -> memref<128x128xf32, #tpu.memory_space<vmem_shared>>
        %dma_wait3A_44 = arith.constant 0 : i32
        %dma_wait3A_45 = tpu.memref_slice %arg10[%add3A_37, %dma_wait3A_44] : memref<10240x128xf32, #tpu.memory_space<vmem_shared>> -> memref<128x128xf32, #tpu.memory_space<vmem_shared>>
        tpu.wait_dma2 semaphore(%run_scoped3A_38 : memref<!tpu.dma_semaphore, #tpu.memory_space<semaphore_mem>>) src(%arg8 : memref<128x128xf32, #tpu.memory_space<vmem>>) dst(%dma_wait3A_45 : memref<128x128xf32, #tpu.memory_space<vmem_shared>>)
        tpu.yield
      }) : () -> ()
    }
    %scan3A_11 = arith.constant 5 : i32
    %barrier3A = arith.constant 0 : index
    tpu.barrier barrier_id(%barrier3A)
    %run_scoped3A = arith.constant 0 : i32
    "tpu.region"() ({
      %run_scoped3A_30 = tpu.sem_alloc : memref<!tpu.dma_semaphore, #tpu.memory_space<semaphore_mem>>
      %dma_start3A_31 = arith.constant 0 : i32
      %dma_start3A_32 = arith.constant 0 : i32
      %dma_start3A_33 = tpu.memref_slice %arg6[%run_scoped3A, %dma_start3A_31, %dma_start3A_32] : memref<2x8x128xi32, #tpu.memory_space<vmem>> -> memref<1x8x128xi32, #tpu.memory_space<vmem>>
      %dma_start3A_34 = tpu.memref_squeeze %dma_start3A_33 : memref<1x8x128xi32, #tpu.memory_space<vmem>> -> memref<8x128xi32, #tpu.memory_space<vmem>>
      %dma_start3A_35 = arith.constant 0 : i32
      %dma_start3A_36 = tpu.memref_slice %arg3[%mul3A_2, %dma_start3A_35] : memref<2560x128xi32, #tpu.memory_space<hbm>> -> memref<8x128xi32, #tpu.memory_space<hbm>>
      %dma_start3A_37 = arith.constant 0 : i32
      %dma_start3A_38 = arith.constant 0 : i32
      %dma_start3A_39 = tpu.memref_slice %arg6[%run_scoped3A, %dma_start3A_37, %dma_start3A_38] : memref<2x8x128xi32, #tpu.memory_space<vmem>> -> memref<1x8x128xi32, #tpu.memory_space<vmem>>
      %dma_start3A_40 = tpu.memref_squeeze %dma_start3A_39 : memref<1x8x128xi32, #tpu.memory_space<vmem>> -> memref<8x128xi32, #tpu.memory_space<vmem>>
      %dma_start3A_41 = arith.constant 0 : i32
      %dma_start3A_42 = tpu.memref_slice %arg3[%mul3A_2, %dma_start3A_41] : memref<2560x128xi32, #tpu.memory_space<hbm>> -> memref<8x128xi32, #tpu.memory_space<hbm>>
      tpu.enqueue_dma source(%dma_start3A_42 : memref<8x128xi32, #tpu.memory_space<hbm>>) target(%dma_start3A_40 : memref<8x128xi32, #tpu.memory_space<vmem>>) target_semaphore(%run_scoped3A_30 : memref<!tpu.dma_semaphore, #tpu.memory_space<semaphore_mem>>)
      %dma_wait3A = arith.constant 0 : i32
      %dma_wait3A_43 = arith.constant 0 : i32
      %dma_wait3A_44 = tpu.memref_slice %arg6[%run_scoped3A, %dma_wait3A, %dma_wait3A_43] : memref<2x8x128xi32, #tpu.memory_space<vmem>> -> memref<1x8x128xi32, #tpu.memory_space<vmem>>
      %dma_wait3A_45 = tpu.memref_squeeze %dma_wait3A_44 : memref<1x8x128xi32, #tpu.memory_space<vmem>> -> memref<8x128xi32, #tpu.memory_space<vmem>>
      %dma_wait3A_46 = arith.constant 0 : i32
      %dma_wait3A_47 = tpu.memref_slice %arg3[%mul3A_2, %dma_wait3A_46] : memref<2560x128xi32, #tpu.memory_space<hbm>> -> memref<8x128xi32, #tpu.memory_space<hbm>>
      %dma_wait3A_48 = arith.constant 0 : i32
      %dma_wait3A_49 = arith.constant 0 : i32
      %dma_wait3A_50 = tpu.memref_slice %arg6[%run_scoped3A, %dma_wait3A_48, %dma_wait3A_49] : memref<2x8x128xi32, #tpu.memory_space<vmem>> -> memref<1x8x128xi32, #tpu.memory_space<vmem>>
      %dma_wait3A_51 = tpu.memref_squeeze %dma_wait3A_50 : memref<1x8x128xi32, #tpu.memory_space<vmem>> -> memref<8x128xi32, #tpu.memory_space<vmem>>
      %dma_wait3A_52 = arith.constant 0 : i32
      %dma_wait3A_53 = tpu.memref_slice %arg3[%mul3A_2, %dma_wait3A_52] : memref<2560x128xi32, #tpu.memory_space<hbm>> -> memref<8x128xi32, #tpu.memory_space<hbm>>
      tpu.wait_dma2 semaphore(%run_scoped3A_30 : memref<!tpu.dma_semaphore, #tpu.memory_space<semaphore_mem>>) src(%dma_wait3A_53 : memref<8x128xi32, #tpu.memory_space<hbm>>) dst(%dma_wait3A_51 : memref<8x128xi32, #tpu.memory_space<vmem>>)
      tpu.yield
    }) : () -> ()
    %run_scoped3A_12 = arith.constant 0 : i32
    "tpu.region"() ({
      %run_scoped3A_30 = tpu.sem_alloc : memref<!tpu.dma_semaphore, #tpu.memory_space<semaphore_mem>>
      %dma_start3A_31 = arith.constant 0 : i32
      %dma_start3A_32 = arith.constant 0 : i32
      %dma_start3A_33 = tpu.memref_slice %arg7[%run_scoped3A_12, %dma_start3A_31, %dma_start3A_32] : memref<2x8x128xi32, #tpu.memory_space<vmem>> -> memref<1x8x128xi32, #tpu.memory_space<vmem>>
      %dma_start3A_34 = tpu.memref_squeeze %dma_start3A_33 : memref<1x8x128xi32, #tpu.memory_space<vmem>> -> memref<8x128xi32, #tpu.memory_space<vmem>>
      %dma_start3A_35 = arith.constant 0 : i32
      %dma_start3A_36 = tpu.memref_slice %arg4[%mul3A_2, %dma_start3A_35] : memref<2560x128xi32, #tpu.memory_space<hbm>> -> memref<8x128xi32, #tpu.memory_space<hbm>>
      %dma_start3A_37 = arith.constant 0 : i32
      %dma_start3A_38 = arith.constant 0 : i32
      %dma_start3A_39 = tpu.memref_slice %arg7[%run_scoped3A_12, %dma_start3A_37, %dma_start3A_38] : memref<2x8x128xi32, #tpu.memory_space<vmem>> -> memref<1x8x128xi32, #tpu.memory_space<vmem>>
      %dma_start3A_40 = tpu.memref_squeeze %dma_start3A_39 : memref<1x8x128xi32, #tpu.memory_space<vmem>> -> memref<8x128xi32, #tpu.memory_space<vmem>>
      %dma_start3A_41 = arith.constant 0 : i32
      %dma_start3A_42 = tpu.memref_slice %arg4[%mul3A_2, %dma_start3A_41] : memref<2560x128xi32, #tpu.memory_space<hbm>> -> memref<8x128xi32, #tpu.memory_space<hbm>>
      tpu.enqueue_dma source(%dma_start3A_42 : memref<8x128xi32, #tpu.memory_space<hbm>>) target(%dma_start3A_40 : memref<8x128xi32, #tpu.memory_space<vmem>>) target_semaphore(%run_scoped3A_30 : memref<!tpu.dma_semaphore, #tpu.memory_space<semaphore_mem>>)
      %dma_wait3A = arith.constant 0 : i32
      %dma_wait3A_43 = arith.constant 0 : i32
      %dma_wait3A_44 = tpu.memref_slice %arg7[%run_scoped3A_12, %dma_wait3A, %dma_wait3A_43] : memref<2x8x128xi32, #tpu.memory_space<vmem>> -> memref<1x8x128xi32, #tpu.memory_space<vmem>>
      %dma_wait3A_45 = tpu.memref_squeeze %dma_wait3A_44 : memref<1x8x128xi32, #tpu.memory_space<vmem>> -> memref<8x128xi32, #tpu.memory_space<vmem>>
      %dma_wait3A_46 = arith.constant 0 : i32
      %dma_wait3A_47 = tpu.memref_slice %arg4[%mul3A_2, %dma_wait3A_46] : memref<2560x128xi32, #tpu.memory_space<hbm>> -> memref<8x128xi32, #tpu.memory_space<hbm>>
      %dma_wait3A_48 = arith.constant 0 : i32
      %dma_wait3A_49 = arith.constant 0 : i32
      %dma_wait3A_50 = tpu.memref_slice %arg7[%run_scoped3A_12, %dma_wait3A_48, %dma_wait3A_49] : memref<2x8x128xi32, #tpu.memory_space<vmem>> -> memref<1x8x128xi32, #tpu.memory_space<vmem>>
      %dma_wait3A_51 = tpu.memref_squeeze %dma_wait3A_50 : memref<1x8x128xi32, #tpu.memory_space<vmem>> -> memref<8x128xi32, #tpu.memory_space<vmem>>
      %dma_wait3A_52 = arith.constant 0 : i32
      %dma_wait3A_53 = tpu.memref_slice %arg4[%mul3A_2, %dma_wait3A_52] : memref<2560x128xi32, #tpu.memory_space<hbm>> -> memref<8x128xi32, #tpu.memory_space<hbm>>
      tpu.wait_dma2 semaphore(%run_scoped3A_30 : memref<!tpu.dma_semaphore, #tpu.memory_space<semaphore_mem>>) src(%dma_wait3A_53 : memref<8x128xi32, #tpu.memory_space<hbm>>) dst(%dma_wait3A_51 : memref<8x128xi32, #tpu.memory_space<vmem>>)
      tpu.yield
    }) : () -> ()
    %dma_start3A = arith.constant 0 : i32
    %dma_start3A_13 = arith.constant 0 : i32
    %dma_start3A_14 = arith.constant 0 : i32
    %dma_start3A_15 = tpu.memref_slice %arg6[%dma_start3A, %dma_start3A_13, %dma_start3A_14] : memref<2x8x128xi32, #tpu.memory_space<vmem>> -> memref<1x1x128xi32, #tpu.memory_space<vmem>>
    %dma_start3A_16 = tpu.memref_squeeze %dma_start3A_15 : memref<1x1x128xi32, #tpu.memory_space<vmem>> -> memref<128xi32, #tpu.memory_space<vmem>>
    %dma_start3A_17 = arith.constant 0 : i32
    %dma_start3A_18 = arith.constant 0 : i32
    %dma_start3A_19 = tpu.memref_slice %arg2[%dma_start3A_17, %dma_start3A_18] : memref<10240x128xf32, #tpu.memory_space<hbm>> -> memref<10240x128xf32, #tpu.memory_space<hbm>>
    tpu.enqueue_indirect_dma source(%dma_start3A_19 : memref<10240x128xf32, #tpu.memory_space<hbm>>) target(%arg8 : memref<128x128xf32, #tpu.memory_space<vmem>>) offsets(%dma_start3A_16 : memref<128xi32, #tpu.memory_space<vmem>>) semaphore(%arg11 : memref<!tpu.dma_semaphore, #tpu.memory_space<semaphore_mem>>)
    %scan3A_20 = arith.constant 0 : i32
    %scan3A_21 = arith.constant 10 : i32
    %scan3A_22 = arith.addi %scan3A_20, %scan3A_21 : i32
    %scan3A_23 = arith.constant 1 : i32
    scf.for %scan3A_30 = %scan3A_20 to %scan3A_22 step %scan3A_23  : i32 {
      %mul3A_31 = arith.constant 1 : i32
      %mul3A_32 = arith.muli %scan3A_30, %mul3A_31 : i32
      %add3A_33 = arith.constant 0 : i32
      %add3A_34 = arith.addi %add3A_33, %mul3A_32 : i32
      %rem3A = arith.constant 2 : i32
      %rem3A_35 = arith.remsi %add3A_34, %rem3A : i32
      %sub3A = arith.constant 1 : i32
      %sub3A_36 = arith.subi %sub3A, %rem3A_35 : i32
      %add3A_37 = arith.constant 1 : i32
      %add3A_38 = arith.addi %add3A_34, %add3A_37 : i32
      %mul3A_39 = arith.constant 8 : i32
      %mul3A_40 = arith.muli %add3A_38, %mul3A_39 : i32
      %add3A_41 = arith.addi %mul3A_2, %mul3A_40 : i32
      %add3A_42 = arith.constant 1 : i32
      %add3A_43 = arith.addi %add3A_34, %add3A_42 : i32
      %lt3A = arith.constant 10 : i32
      %lt3A_44 = arith.cmpi slt, %add3A_43, %lt3A : i32
      %convert_element_type3A = arith.extui %lt3A_44 : i1 to i32
      %cond3A = arith.constant 0 : i32
      %cond3A_45 = arith.cmpi ne, %convert_element_type3A, %cond3A : i32
      scf.if %cond3A_45 {
        %dma_start3A_51 = arith.constant 0 : i32
        %dma_start3A_52 = arith.constant 0 : i32
        %dma_start3A_53 = tpu.memref_slice %arg6[%sub3A_36, %dma_start3A_51, %dma_start3A_52] : memref<2x8x128xi32, #tpu.memory_space<vmem>> -> memref<1x8x128xi32, #tpu.memory_space<vmem>>
        %dma_start3A_54 = tpu.memref_squeeze %dma_start3A_53 : memref<1x8x128xi32, #tpu.memory_space<vmem>> -> memref<8x128xi32, #tpu.memory_space<vmem>>
        %dma_start3A_55 = arith.constant 0 : i32
        %dma_start3A_56 = tpu.memref_slice %arg3[%add3A_41, %dma_start3A_55] : memref<2560x128xi32, #tpu.memory_space<hbm>> -> memref<8x128xi32, #tpu.memory_space<hbm>>
        %dma_start3A_57 = arith.constant 0 : i32
        %dma_start3A_58 = arith.constant 0 : i32
        %dma_start3A_59 = tpu.memref_slice %arg6[%sub3A_36, %dma_start3A_57, %dma_start3A_58] : memref<2x8x128xi32, #tpu.memory_space<vmem>> -> memref<1x8x128xi32, #tpu.memory_space<vmem>>
        %dma_start3A_60 = tpu.memref_squeeze %dma_start3A_59 : memref<1x8x128xi32, #tpu.memory_space<vmem>> -> memref<8x128xi32, #tpu.memory_space<vmem>>
        %dma_start3A_61 = arith.constant 0 : i32
        %dma_start3A_62 = tpu.memref_slice %arg3[%add3A_41, %dma_start3A_61] : memref<2560x128xi32, #tpu.memory_space<hbm>> -> memref<8x128xi32, #tpu.memory_space<hbm>>
        tpu.enqueue_dma source(%dma_start3A_62 : memref<8x128xi32, #tpu.memory_space<hbm>>) target(%dma_start3A_60 : memref<8x128xi32, #tpu.memory_space<vmem>>) target_semaphore(%arg13 : memref<!tpu.dma_semaphore, #tpu.memory_space<semaphore_mem>>)
        %dma_start3A_63 = arith.constant 0 : i32
        %dma_start3A_64 = arith.constant 0 : i32
        %dma_start3A_65 = tpu.memref_slice %arg7[%sub3A_36, %dma_start3A_63, %dma_start3A_64] : memref<2x8x128xi32, #tpu.memory_space<vmem>> -> memref<1x8x128xi32, #tpu.memory_space<vmem>>
        %dma_start3A_66 = tpu.memref_squeeze %dma_start3A_65 : memref<1x8x128xi32, #tpu.memory_space<vmem>> -> memref<8x128xi32, #tpu.memory_space<vmem>>
        %dma_start3A_67 = arith.constant 0 : i32
        %dma_start3A_68 = tpu.memref_slice %arg4[%add3A_41, %dma_start3A_67] : memref<2560x128xi32, #tpu.memory_space<hbm>> -> memref<8x128xi32, #tpu.memory_space<hbm>>
        %dma_start3A_69 = arith.constant 0 : i32
        %dma_start3A_70 = arith.constant 0 : i32
        %dma_start3A_71 = tpu.memref_slice %arg7[%sub3A_36, %dma_start3A_69, %dma_start3A_70] : memref<2x8x128xi32, #tpu.memory_space<vmem>> -> memref<1x8x128xi32, #tpu.memory_space<vmem>>
        %dma_start3A_72 = tpu.memref_squeeze %dma_start3A_71 : memref<1x8x128xi32, #tpu.memory_space<vmem>> -> memref<8x128xi32, #tpu.memory_space<vmem>>
        %dma_start3A_73 = arith.constant 0 : i32
        %dma_start3A_74 = tpu.memref_slice %arg4[%add3A_41, %dma_start3A_73] : memref<2560x128xi32, #tpu.memory_space<hbm>> -> memref<8x128xi32, #tpu.memory_space<hbm>>
        tpu.enqueue_dma source(%dma_start3A_74 : memref<8x128xi32, #tpu.memory_space<hbm>>) target(%dma_start3A_72 : memref<8x128xi32, #tpu.memory_space<vmem>>) target_semaphore(%arg13 : memref<!tpu.dma_semaphore, #tpu.memory_space<semaphore_mem>>)
      } else {
      }
      %scan3A_46 = arith.constant 0 : i32
      %scan3A_47 = arith.constant 4 : i32
      %scan3A_48 = arith.addi %scan3A_46, %scan3A_47 : i32
      %scan3A_49 = arith.constant 1 : i32
      scf.for %scan3A_51 = %scan3A_46 to %scan3A_48 step %scan3A_49  : i32 {
        %mul3A_52 = arith.constant 2 : i32
        %mul3A_53 = arith.muli %scan3A_51, %mul3A_52 : i32
        %add3A_54 = arith.constant 0 : i32
        %add3A_55 = arith.addi %add3A_54, %mul3A_53 : i32
        %add3A_56 = arith.constant 1 : i32
        %add3A_57 = arith.addi %add3A_55, %add3A_56 : i32
        %dma_start3A_58 = arith.constant 0 : i32
        %dma_start3A_59 = tpu.memref_slice %arg6[%rem3A_35, %add3A_57, %dma_start3A_58] : memref<2x8x128xi32, #tpu.memory_space<vmem>> -> memref<1x1x128xi32, #tpu.memory_space<vmem>>
        %dma_start3A_60 = tpu.memref_squeeze %dma_start3A_59 : memref<1x1x128xi32, #tpu.memory_space<vmem>> -> memref<128xi32, #tpu.memory_space<vmem>>
        %dma_start3A_61 = arith.constant 0 : i32
        %dma_start3A_62 = arith.constant 0 : i32
        %dma_start3A_63 = tpu.memref_slice %arg2[%dma_start3A_61, %dma_start3A_62] : memref<10240x128xf32, #tpu.memory_space<hbm>> -> memref<10240x128xf32, #tpu.memory_space<hbm>>
        tpu.enqueue_indirect_dma source(%dma_start3A_63 : memref<10240x128xf32, #tpu.memory_space<hbm>>) target(%arg9 : memref<128x128xf32, #tpu.memory_space<vmem>>) offsets(%dma_start3A_60 : memref<128xi32, #tpu.memory_space<vmem>>) semaphore(%arg12 : memref<!tpu.dma_semaphore, #tpu.memory_space<semaphore_mem>>)
        %dma_wait3A = arith.constant 0 : i32
        %dma_wait3A_64 = tpu.memref_slice %arg6[%rem3A_35, %add3A_55, %dma_wait3A] : memref<2x8x128xi32, #tpu.memory_space<vmem>> -> memref<1x1x128xi32, #tpu.memory_space<vmem>>
        %dma_wait3A_65 = tpu.memref_squeeze %dma_wait3A_64 : memref<1x1x128xi32, #tpu.memory_space<vmem>> -> memref<128xi32, #tpu.memory_space<vmem>>
        %dma_wait3A_66 = arith.constant 0 : i32
        %dma_wait3A_67 = arith.constant 0 : i32
        %dma_wait3A_68 = tpu.memref_slice %arg2[%dma_wait3A_66, %dma_wait3A_67] : memref<10240x128xf32, #tpu.memory_space<hbm>> -> memref<10240x128xf32, #tpu.memory_space<hbm>>
        tpu.wait_indirect_dma semaphore(%arg11 : memref<!tpu.dma_semaphore, #tpu.memory_space<semaphore_mem>>) src(%dma_wait3A_68 : memref<10240x128xf32, #tpu.memory_space<hbm>>) dst(%arg8 : memref<128x128xf32, #tpu.memory_space<vmem>>)
        "tpu.region"() ({
          %run_scoped3A_96 = tpu.sem_alloc : memref<!tpu.dma_semaphore, #tpu.memory_space<semaphore_mem>>
          %dma_start3A_97 = arith.constant 0 : i32
          %dma_start3A_98 = tpu.memref_slice %arg7[%rem3A_35, %add3A_55, %dma_start3A_97] : memref<2x8x128xi32, #tpu.memory_space<vmem>> -> memref<1x1x128xi32, #tpu.memory_space<vmem>>
          %dma_start3A_99 = tpu.memref_squeeze %dma_start3A_98 : memref<1x1x128xi32, #tpu.memory_space<vmem>> -> memref<128xi32, #tpu.memory_space<vmem>>
          %dma_start3A_100 = arith.constant 0 : i32
          %dma_start3A_101 = arith.constant 0 : i32
          %dma_start3A_102 = tpu.memref_slice %arg10[%dma_start3A_100, %dma_start3A_101] : memref<10240x128xf32, #tpu.memory_space<vmem_shared>> -> memref<10240x128xf32, #tpu.memory_space<vmem_shared>>
          tpu.enqueue_indirect_dma source(%arg8 : memref<128x128xf32, #tpu.memory_space<vmem>>) target(%dma_start3A_102 : memref<10240x128xf32, #tpu.memory_space<vmem_shared>>) offsets(%dma_start3A_99 : memref<128xi32, #tpu.memory_space<vmem>>) semaphore(%run_scoped3A_96 : memref<!tpu.dma_semaphore, #tpu.memory_space<semaphore_mem>>) {add = true}
          %dma_wait3A_103 = arith.constant 0 : i32
          %dma_wait3A_104 = tpu.memref_slice %arg7[%rem3A_35, %add3A_55, %dma_wait3A_103] : memref<2x8x128xi32, #tpu.memory_space<vmem>> -> memref<1x1x128xi32, #tpu.memory_space<vmem>>
          %dma_wait3A_105 = tpu.memref_squeeze %dma_wait3A_104 : memref<1x1x128xi32, #tpu.memory_space<vmem>> -> memref<128xi32, #tpu.memory_space<vmem>>
          %dma_wait3A_106 = arith.constant 0 : i32
          %dma_wait3A_107 = arith.constant 0 : i32
          %dma_wait3A_108 = tpu.memref_slice %arg10[%dma_wait3A_106, %dma_wait3A_107] : memref<10240x128xf32, #tpu.memory_space<vmem_shared>> -> memref<10240x128xf32, #tpu.memory_space<vmem_shared>>
          tpu.wait_indirect_dma semaphore(%run_scoped3A_96 : memref<!tpu.dma_semaphore, #tpu.memory_space<semaphore_mem>>) src(%arg8 : memref<128x128xf32, #tpu.memory_space<vmem>>) dst(%dma_wait3A_108 : memref<10240x128xf32, #tpu.memory_space<vmem_shared>>)
          tpu.yield
        }) : () -> ()
        %add3A_69 = arith.constant 2 : i32
        %add3A_70 = arith.addi %add3A_55, %add3A_69 : i32
        %lt3A_71 = arith.constant 8 : i32
        %lt3A_72 = arith.cmpi slt, %add3A_70, %lt3A_71 : i32
        %convert_element_type3A_73 = arith.extui %lt3A_72 : i1 to i32
        %cond3A_74 = arith.constant 0 : i32
        %cond3A_75 = arith.cmpi ne, %convert_element_type3A_73, %cond3A_74 : i32
        scf.if %cond3A_75 {
          %add3A_96 = arith.constant 2 : i32
          %add3A_97 = arith.addi %add3A_55, %add3A_96 : i32
          %dma_start3A_98 = arith.constant 0 : i32
          %dma_start3A_99 = tpu.memref_slice %arg6[%rem3A_35, %add3A_97, %dma_start3A_98] : memref<2x8x128xi32, #tpu.memory_space<vmem>> -> memref<1x1x128xi32, #tpu.memory_space<vmem>>
          %dma_start3A_100 = tpu.memref_squeeze %dma_start3A_99 : memref<1x1x128xi32, #tpu.memory_space<vmem>> -> memref<128xi32, #tpu.memory_space<vmem>>
          %dma_start3A_101 = arith.constant 0 : i32
          %dma_start3A_102 = arith.constant 0 : i32
          %dma_start3A_103 = tpu.memref_slice %arg2[%dma_start3A_101, %dma_start3A_102] : memref<10240x128xf32, #tpu.memory_space<hbm>> -> memref<10240x128xf32, #tpu.memory_space<hbm>>
          tpu.enqueue_indirect_dma source(%dma_start3A_103 : memref<10240x128xf32, #tpu.memory_space<hbm>>) target(%arg8 : memref<128x128xf32, #tpu.memory_space<vmem>>) offsets(%dma_start3A_100 : memref<128xi32, #tpu.memory_space<vmem>>) semaphore(%arg11 : memref<!tpu.dma_semaphore, #tpu.memory_space<semaphore_mem>>)
        } else {
        }
        %add3A_76 = arith.constant 2 : i32
        %add3A_77 = arith.addi %add3A_55, %add3A_76 : i32
        %ge3A = arith.constant 8 : i32
        %ge3A_78 = arith.cmpi sge, %add3A_77, %ge3A : i32
        %add3A_79 = arith.constant 1 : i32
        %add3A_80 = arith.addi %add3A_34, %add3A_79 : i32
        %lt3A_81 = arith.constant 10 : i32
        %lt3A_82 = arith.cmpi slt, %add3A_80, %lt3A_81 : i32
        %and3A = arith.andi %ge3A_78, %lt3A_82 : i1
        %convert_element_type3A_83 = arith.extui %and3A : i1 to i32
        %cond3A_84 = arith.constant 0 : i32
        %cond3A_85 = arith.cmpi ne, %convert_element_type3A_83, %cond3A_84 : i32
        scf.if %cond3A_85 {
          %dma_wait3A_96 = arith.constant 0 : i32
          %dma_wait3A_97 = arith.constant 0 : i32
          %dma_wait3A_98 = tpu.memref_slice %arg6[%sub3A_36, %dma_wait3A_96, %dma_wait3A_97] : memref<2x8x128xi32, #tpu.memory_space<vmem>> -> memref<1x8x128xi32, #tpu.memory_space<vmem>>
          %dma_wait3A_99 = tpu.memref_squeeze %dma_wait3A_98 : memref<1x8x128xi32, #tpu.memory_space<vmem>> -> memref<8x128xi32, #tpu.memory_space<vmem>>
          %dma_wait3A_100 = arith.constant 0 : i32
          %dma_wait3A_101 = tpu.memref_slice %arg3[%add3A_41, %dma_wait3A_100] : memref<2560x128xi32, #tpu.memory_space<hbm>> -> memref<8x128xi32, #tpu.memory_space<hbm>>
          %dma_wait3A_102 = arith.constant 0 : i32
          %dma_wait3A_103 = arith.constant 0 : i32
          %dma_wait3A_104 = tpu.memref_slice %arg6[%sub3A_36, %dma_wait3A_102, %dma_wait3A_103] : memref<2x8x128xi32, #tpu.memory_space<vmem>> -> memref<1x8x128xi32, #tpu.memory_space<vmem>>
          %dma_wait3A_105 = tpu.memref_squeeze %dma_wait3A_104 : memref<1x8x128xi32, #tpu.memory_space<vmem>> -> memref<8x128xi32, #tpu.memory_space<vmem>>
          %dma_wait3A_106 = arith.constant 0 : i32
          %dma_wait3A_107 = tpu.memref_slice %arg3[%add3A_41, %dma_wait3A_106] : memref<2560x128xi32, #tpu.memory_space<hbm>> -> memref<8x128xi32, #tpu.memory_space<hbm>>
          tpu.wait_dma2 semaphore(%arg13 : memref<!tpu.dma_semaphore, #tpu.memory_space<semaphore_mem>>) src(%dma_wait3A_107 : memref<8x128xi32, #tpu.memory_space<hbm>>) dst(%dma_wait3A_105 : memref<8x128xi32, #tpu.memory_space<vmem>>)
          %dma_wait3A_108 = arith.constant 0 : i32
          %dma_wait3A_109 = arith.constant 0 : i32
          %dma_wait3A_110 = tpu.memref_slice %arg7[%sub3A_36, %dma_wait3A_108, %dma_wait3A_109] : memref<2x8x128xi32, #tpu.memory_space<vmem>> -> memref<1x8x128xi32, #tpu.memory_space<vmem>>
          %dma_wait3A_111 = tpu.memref_squeeze %dma_wait3A_110 : memref<1x8x128xi32, #tpu.memory_space<vmem>> -> memref<8x128xi32, #tpu.memory_space<vmem>>
          %dma_wait3A_112 = arith.constant 0 : i32
          %dma_wait3A_113 = tpu.memref_slice %arg4[%add3A_41, %dma_wait3A_112] : memref<2560x128xi32, #tpu.memory_space<hbm>> -> memref<8x128xi32, #tpu.memory_space<hbm>>
          %dma_wait3A_114 = arith.constant 0 : i32
          %dma_wait3A_115 = arith.constant 0 : i32
          %dma_wait3A_116 = tpu.memref_slice %arg7[%sub3A_36, %dma_wait3A_114, %dma_wait3A_115] : memref<2x8x128xi32, #tpu.memory_space<vmem>> -> memref<1x8x128xi32, #tpu.memory_space<vmem>>
          %dma_wait3A_117 = tpu.memref_squeeze %dma_wait3A_116 : memref<1x8x128xi32, #tpu.memory_space<vmem>> -> memref<8x128xi32, #tpu.memory_space<vmem>>
          %dma_wait3A_118 = arith.constant 0 : i32
          %dma_wait3A_119 = tpu.memref_slice %arg4[%add3A_41, %dma_wait3A_118] : memref<2560x128xi32, #tpu.memory_space<hbm>> -> memref<8x128xi32, #tpu.memory_space<hbm>>
          tpu.wait_dma2 semaphore(%arg13 : memref<!tpu.dma_semaphore, #tpu.memory_space<semaphore_mem>>) src(%dma_wait3A_119 : memref<8x128xi32, #tpu.memory_space<hbm>>) dst(%dma_wait3A_117 : memref<8x128xi32, #tpu.memory_space<vmem>>)
          %dma_start3A_120 = arith.constant 0 : i32
          %dma_start3A_121 = arith.constant 0 : i32
          %dma_start3A_122 = tpu.memref_slice %arg6[%sub3A_36, %dma_start3A_120, %dma_start3A_121] : memref<2x8x128xi32, #tpu.memory_space<vmem>> -> memref<1x1x128xi32, #tpu.memory_space<vmem>>
          %dma_start3A_123 = tpu.memref_squeeze %dma_start3A_122 : memref<1x1x128xi32, #tpu.memory_space<vmem>> -> memref<128xi32, #tpu.memory_space<vmem>>
          %dma_start3A_124 = arith.constant 0 : i32
          %dma_start3A_125 = arith.constant 0 : i32
          %dma_start3A_126 = tpu.memref_slice %arg2[%dma_start3A_124, %dma_start3A_125] : memref<10240x128xf32, #tpu.memory_space<hbm>> -> memref<10240x128xf32, #tpu.memory_space<hbm>>
          tpu.enqueue_indirect_dma source(%dma_start3A_126 : memref<10240x128xf32, #tpu.memory_space<hbm>>) target(%arg8 : memref<128x128xf32, #tpu.memory_space<vmem>>) offsets(%dma_start3A_123 : memref<128xi32, #tpu.memory_space<vmem>>) semaphore(%arg11 : memref<!tpu.dma_semaphore, #tpu.memory_space<semaphore_mem>>)
        } else {
        }
        %add3A_86 = arith.constant 1 : i32
        %add3A_87 = arith.addi %add3A_55, %add3A_86 : i32
        %dma_wait3A_88 = arith.constant 0 : i32
        %dma_wait3A_89 = tpu.memref_slice %arg6[%rem3A_35, %add3A_87, %dma_wait3A_88] : memref<2x8x128xi32, #tpu.memory_space<vmem>> -> memref<1x1x128xi32, #tpu.memory_space<vmem>>
        %dma_wait3A_90 = tpu.memref_squeeze %dma_wait3A_89 : memref<1x1x128xi32, #tpu.memory_space<vmem>> -> memref<128xi32, #tpu.memory_space<vmem>>
        %dma_wait3A_91 = arith.constant 0 : i32
        %dma_wait3A_92 = arith.constant 0 : i32
        %dma_wait3A_93 = tpu.memref_slice %arg2[%dma_wait3A_91, %dma_wait3A_92] : memref<10240x128xf32, #tpu.memory_space<hbm>> -> memref<10240x128xf32, #tpu.memory_space<hbm>>
        tpu.wait_indirect_dma semaphore(%arg12 : memref<!tpu.dma_semaphore, #tpu.memory_space<semaphore_mem>>) src(%dma_wait3A_93 : memref<10240x128xf32, #tpu.memory_space<hbm>>) dst(%arg9 : memref<128x128xf32, #tpu.memory_space<vmem>>)
        %add3A_94 = arith.constant 1 : i32
        %add3A_95 = arith.addi %add3A_55, %add3A_94 : i32
        "tpu.region"() ({
          %run_scoped3A_96 = tpu.sem_alloc : memref<!tpu.dma_semaphore, #tpu.memory_space<semaphore_mem>>
          %dma_start3A_97 = arith.constant 0 : i32
          %dma_start3A_98 = tpu.memref_slice %arg7[%rem3A_35, %add3A_95, %dma_start3A_97] : memref<2x8x128xi32, #tpu.memory_space<vmem>> -> memref<1x1x128xi32, #tpu.memory_space<vmem>>
          %dma_start3A_99 = tpu.memref_squeeze %dma_start3A_98 : memref<1x1x128xi32, #tpu.memory_space<vmem>> -> memref<128xi32, #tpu.memory_space<vmem>>
          %dma_start3A_100 = arith.constant 0 : i32
          %dma_start3A_101 = arith.constant 0 : i32
          %dma_start3A_102 = tpu.memref_slice %arg10[%dma_start3A_100, %dma_start3A_101] : memref<10240x128xf32, #tpu.memory_space<vmem_shared>> -> memref<10240x128xf32, #tpu.memory_space<vmem_shared>>
          tpu.enqueue_indirect_dma source(%arg9 : memref<128x128xf32, #tpu.memory_space<vmem>>) target(%dma_start3A_102 : memref<10240x128xf32, #tpu.memory_space<vmem_shared>>) offsets(%dma_start3A_99 : memref<128xi32, #tpu.memory_space<vmem>>) semaphore(%run_scoped3A_96 : memref<!tpu.dma_semaphore, #tpu.memory_space<semaphore_mem>>) {add = true}
          %dma_wait3A_103 = arith.constant 0 : i32
          %dma_wait3A_104 = tpu.memref_slice %arg7[%rem3A_35, %add3A_95, %dma_wait3A_103] : memref<2x8x128xi32, #tpu.memory_space<vmem>> -> memref<1x1x128xi32, #tpu.memory_space<vmem>>
          %dma_wait3A_105 = tpu.memref_squeeze %dma_wait3A_104 : memref<1x1x128xi32, #tpu.memory_space<vmem>> -> memref<128xi32, #tpu.memory_space<vmem>>
          %dma_wait3A_106 = arith.constant 0 : i32
          %dma_wait3A_107 = arith.constant 0 : i32
          %dma_wait3A_108 = tpu.memref_slice %arg10[%dma_wait3A_106, %dma_wait3A_107] : memref<10240x128xf32, #tpu.memory_space<vmem_shared>> -> memref<10240x128xf32, #tpu.memory_space<vmem_shared>>
          tpu.wait_indirect_dma semaphore(%run_scoped3A_96 : memref<!tpu.dma_semaphore, #tpu.memory_space<semaphore_mem>>) src(%arg9 : memref<128x128xf32, #tpu.memory_space<vmem>>) dst(%dma_wait3A_108 : memref<10240x128xf32, #tpu.memory_space<vmem_shared>>)
          tpu.yield
        }) : () -> ()
      }
      %scan3A_50 = arith.constant 4 : i32
    }
    %scan3A_24 = arith.constant 10 : i32
    %barrier3A_25 = arith.constant 0 : index
    tpu.barrier barrier_id(%barrier3A_25)
    %mul3A_26 = arith.constant 640 : i32
    %mul3A_27 = arith.muli %arg1, %mul3A_26 : i32
    %mul3A_28 = arith.constant 640 : i32
    %mul3A_29 = arith.muli %arg1, %mul3A_28 : i32
    "tpu.region"() ({
      %run_scoped3A_30 = tpu.sem_alloc : memref<!tpu.dma_semaphore, #tpu.memory_space<semaphore_mem>>
      %dma_start3A_31 = arith.constant 0 : i32
      %dma_start3A_32 = arith.constant 0 : i32
      %dma_start3A_33 = tpu.memref_slice %arg5[%arg0, %dma_start3A_31, %dma_start3A_32] : memref<2x10240x128xf32, #tpu.memory_space<hbm>> -> memref<1x10240x128xf32, #tpu.memory_space<hbm>>
      %dma_start3A_34 = tpu.memref_squeeze %dma_start3A_33 : memref<1x10240x128xf32, #tpu.memory_space<hbm>> -> memref<10240x128xf32, #tpu.memory_space<hbm>>
      %dma_start3A_35 = arith.constant 0 : i32
      %dma_start3A_36 = tpu.memref_slice %dma_start3A_34[%mul3A_29, %dma_start3A_35] : memref<10240x128xf32, #tpu.memory_space<hbm>> -> memref<640x128xf32, #tpu.memory_space<hbm>>
      %dma_start3A_37 = arith.constant 0 : i32
      %dma_start3A_38 = tpu.memref_slice %arg10[%mul3A_27, %dma_start3A_37] : memref<10240x128xf32, #tpu.memory_space<vmem_shared>> -> memref<640x128xf32, #tpu.memory_space<vmem_shared>>
      tpu.enqueue_dma source(%dma_start3A_38 : memref<640x128xf32, #tpu.memory_space<vmem_shared>>) target(%dma_start3A_36 : memref<640x128xf32, #tpu.memory_space<hbm>>) target_semaphore(%run_scoped3A_30 : memref<!tpu.dma_semaphore, #tpu.memory_space<semaphore_mem>>)
      %dma_wait3A = arith.constant 0 : i32
      %dma_wait3A_39 = arith.constant 0 : i32
      %dma_wait3A_40 = tpu.memref_slice %arg5[%arg0, %dma_wait3A, %dma_wait3A_39] : memref<2x10240x128xf32, #tpu.memory_space<hbm>> -> memref<1x10240x128xf32, #tpu.memory_space<hbm>>
      %dma_wait3A_41 = tpu.memref_squeeze %dma_wait3A_40 : memref<1x10240x128xf32, #tpu.memory_space<hbm>> -> memref<10240x128xf32, #tpu.memory_space<hbm>>
      %dma_wait3A_42 = arith.constant 0 : i32
      %dma_wait3A_43 = tpu.memref_slice %dma_wait3A_41[%mul3A_29, %dma_wait3A_42] : memref<10240x128xf32, #tpu.memory_space<hbm>> -> memref<640x128xf32, #tpu.memory_space<hbm>>
      %dma_wait3A_44 = arith.constant 0 : i32
      %dma_wait3A_45 = tpu.memref_slice %arg10[%mul3A_27, %dma_wait3A_44] : memref<10240x128xf32, #tpu.memory_space<vmem_shared>> -> memref<640x128xf32, #tpu.memory_space<vmem_shared>>
      tpu.wait_dma2 semaphore(%run_scoped3A_30 : memref<!tpu.dma_semaphore, #tpu.memory_space<semaphore_mem>>) src(%dma_wait3A_45 : memref<640x128xf32, #tpu.memory_space<vmem_shared>>) dst(%dma_wait3A_43 : memref<640x128xf32, #tpu.memory_space<hbm>>)
      tpu.yield
    }) : () -> ()
    return
  }
}

module attributes {stable_mosaic.version = 14 : i64} {
  func.func @_mm_body(%arg0: i32, %arg1: memref<1024x128xf32, #tpu.memory_space<vmem>>, %arg2: memref<128x128xf32, #tpu.memory_space<vmem>>, %arg3: memref<1024x128xf32, #tpu.memory_space<vmem>>) attributes {dimension_semantics = [#tpu.dimension_semantics<arbitrary>], iteration_bounds = array<i64: 10>, scalar_prefetch = 0 : i64, scratch_operands = 0 : i64, tpu.core_type = #tpu.core_type<tc>, window_params = [{transform_indices = @transform_0, window_bounds = array<i64: 1024, 128>}, {pipeline_mode = #tpu.pipeline_mode<synchronous>, transform_indices = @transform_1, window_bounds = array<i64: 128, 128>}, {transform_indices = @transform_2, window_bounds = array<i64: 1024, 128>}]} {
    %get3A = arith.constant 0 : index
    %get3A_0 = arith.constant 0 : index
    %get3A_1 = vector.load %arg1[%get3A, %get3A_0] : memref<1024x128xf32, #tpu.memory_space<vmem>>, vector<1024x128xf32>
    %get3A_2 = arith.constant 0 : index
    %get3A_3 = arith.constant 0 : index
    %get3A_4 = vector.load %arg2[%get3A_2, %get3A_3] : memref<128x128xf32, #tpu.memory_space<vmem>>, vector<128x128xf32>
    %dot_general3A = arith.constant dense<0.000000e+00> : vector<1024x128xf32>
    %dot_general3A_5 = tpu.matmul %get3A_1, %get3A_4, %dot_general3A {dimension_numbers = #tpu.dot_dimension_numbers<[1], [0], [0], [1], [0, 0, 1, 1], [], []>, transpose_lhs_hint = false} : vector<1024x128xf32>, vector<128x128xf32>, vector<1024x128xf32> -> vector<1024x128xf32>
    %swap3A = arith.constant 0 : index
    %swap3A_6 = arith.constant 0 : index
    %swap3A_7 = vector.load %arg3[%swap3A, %swap3A_6] : memref<1024x128xf32, #tpu.memory_space<vmem>>, vector<1024x128xf32>
    tpu.vector_store %arg3[%swap3A, %swap3A_6], %dot_general3A_5 {strides = array<i32>} : memref<1024x128xf32, #tpu.memory_space<vmem>>, vector<1024x128xf32>,
    return
  }
  func.func @transform_0(%arg0: i32) -> (i32, i32) {
    %c0_i32 = arith.constant 0 : i32
    %c0_i32_0 = arith.constant 0 : i32
    return %arg0, %c0_i32 : i32, i32
  }
  func.func @transform_1(%arg0: i32) -> (i32, i32) {
    %c0_i32 = arith.constant 0 : i32
    %c0_i32_0 = arith.constant 0 : i32
    %c0_i32_1 = arith.constant 0 : i32
    return %c0_i32, %c0_i32_0 : i32, i32
  }
  func.func @transform_2(%arg0: i32) -> (i32, i32) {
    %c0_i32 = arith.constant 0 : i32
    %c0_i32_0 = arith.constant 0 : i32
    return %arg0, %c0_i32 : i32, i32
  }
}

module attributes {stable_mosaic.version = 14 : i64} {
  func.func @_scale_body(%arg0: i32, %arg1: memref<2x8x128xf32, #tpu.memory_space<vmem>>, %arg2: memref<1024x128xf32, #tpu.memory_space<vmem>>, %arg3: memref<1024x128xf32, #tpu.memory_space<vmem>>) attributes {dimension_semantics = [#tpu.dimension_semantics<arbitrary>], iteration_bounds = array<i64: 10>, scalar_prefetch = 0 : i64, scratch_operands = 0 : i64, tpu.core_type = #tpu.core_type<tc>, window_params = [{transform_indices = @transform_0, window_bounds = array<i64: 2, 8, 128>}, {transform_indices = @transform_1, window_bounds = array<i64: 1024, 128>}, {transform_indices = @transform_2, window_bounds = array<i64: 1024, 128>}]} {
    %get3A = arith.constant 0 : index
    %get3A_0 = arith.constant 0 : index
    %get3A_1 = arith.constant 0 : index
    %get3A_2 = vector.load %arg1[%get3A, %get3A_0, %get3A_1] : memref<2x8x128xf32, #tpu.memory_space<vmem>>, vector<1x8x128xf32>
    %get3A_3 = vector.shape_cast %get3A_2 : vector<1x8x128xf32> to vector<8x128xf32>
    %get3A_4 = arith.constant 1 : index
    %get3A_5 = arith.constant 0 : index
    %get3A_6 = arith.constant 0 : index
    %get3A_7 = vector.load %arg1[%get3A_4, %get3A_5, %get3A_6] : memref<2x8x128xf32, #tpu.memory_space<vmem>>, vector<1x8x128xf32>
    %get3A_8 = vector.shape_cast %get3A_7 : vector<1x8x128xf32> to vector<8x128xf32>
    %add3A = arith.addf %get3A_3, %get3A_8 : vector<8x128xf32>
    %add3A_9 = arith.constant 2.000000e+00 : f32
    %add3A_10 = vector.broadcast %add3A_9 : f32 to vector<8x128xf32>
    %add3A_11 = arith.addf %add3A, %add3A_10 : vector<8x128xf32>
    %rsqrt3A = math.rsqrt %add3A_11 : vector<8x128xf32>
    %get3A_12 = arith.constant 0 : index
    %get3A_13 = arith.constant 0 : index
    %get3A_14 = vector.load %arg2[%get3A_12, %get3A_13] : memref<1024x128xf32, #tpu.memory_space<vmem>>, vector<1024x128xf32>
    %reshape3A = vector.shape_cast %get3A_14 : vector<1024x128xf32> to vector<8x128x128xf32>
    %broadcast_in_dim3A = vector.shape_cast %rsqrt3A : vector<8x128xf32> to vector<8x128x1xf32>
    %mul3A = vector.broadcast %broadcast_in_dim3A : vector<8x128x1xf32> to vector<8x128x128xf32>
    %mul3A_15 = arith.mulf %reshape3A, %mul3A : vector<8x128x128xf32>
    %reshape3A_16 = vector.shape_cast %mul3A_15 : vector<8x128x128xf32> to vector<1024x128xf32>
    %swap3A = arith.constant 0 : index
    %swap3A_17 = arith.constant 0 : index
    %swap3A_18 = vector.load %arg3[%swap3A, %swap3A_17] : memref<1024x128xf32, #tpu.memory_space<vmem>>, vector<1024x128xf32>
    tpu.vector_store %arg3[%swap3A, %swap3A_17], %reshape3A_16 {strides = array<i32>} : memref<1024x128xf32, #tpu.memory_space<vmem>>, vector<1024x128xf32>,
    return
  }
  func.func @transform_0(%arg0: i32) -> (i32, i32, i32) {
    %c0_i32 = arith.constant 0 : i32
    %c0_i32_0 = arith.constant 0 : i32
    %c0_i32_1 = arith.constant 0 : i32
    return %c0_i32, %arg0, %c0_i32_0 : i32, i32, i32
  }
  func.func @transform_1(%arg0: i32) -> (i32, i32) {
    %c0_i32 = arith.constant 0 : i32
    %c0_i32_0 = arith.constant 0 : i32
    return %arg0, %c0_i32 : i32, i32
  }
  func.func @transform_2(%arg0: i32) -> (i32, i32) {
    %c0_i32 = arith.constant 0 : i32
    %c0_i32_0 = arith.constant 0 : i32
    return %arg0, %c0_i32 : i32, i32
  }
}

module attributes {stable_mosaic.version = 14 : i64} {
  func.func @_final_body(%arg0: i32, %arg1: memref<2x8x128xf32, #tpu.memory_space<vmem>>, %arg2: memref<2x1024x128xf32, #tpu.memory_space<vmem>>, %arg3: memref<1024x128xf32, #tpu.memory_space<vmem>>, %arg4: memref<1x128xf32, #tpu.memory_space<vmem>>, %arg5: memref<1024x128xf32, #tpu.memory_space<vmem>>) attributes {dimension_semantics = [#tpu.dimension_semantics<arbitrary>], iteration_bounds = array<i64: 10>, scalar_prefetch = 0 : i64, scratch_operands = 0 : i64, tpu.core_type = #tpu.core_type<tc>, window_params = [{transform_indices = @transform_0, window_bounds = array<i64: 2, 8, 128>}, {transform_indices = @transform_1, window_bounds = array<i64: 2, 1024, 128>}, {transform_indices = @transform_2, window_bounds = array<i64: 1024, 128>}, {pipeline_mode = #tpu.pipeline_mode<synchronous>, transform_indices = @transform_3, window_bounds = array<i64: 1, 128>}, {transform_indices = @transform_4, window_bounds = array<i64: 1024, 128>}]} {
    %get3A = arith.constant 0 : index
    %get3A_0 = arith.constant 0 : index
    %get3A_1 = arith.constant 0 : index
    %get3A_2 = vector.load %arg1[%get3A, %get3A_0, %get3A_1] : memref<2x8x128xf32, #tpu.memory_space<vmem>>, vector<1x8x128xf32>
    %get3A_3 = vector.shape_cast %get3A_2 : vector<1x8x128xf32> to vector<8x128xf32>
    %get3A_4 = arith.constant 1 : index
    %get3A_5 = arith.constant 0 : index
    %get3A_6 = arith.constant 0 : index
    %get3A_7 = vector.load %arg1[%get3A_4, %get3A_5, %get3A_6] : memref<2x8x128xf32, #tpu.memory_space<vmem>>, vector<1x8x128xf32>
    %get3A_8 = vector.shape_cast %get3A_7 : vector<1x8x128xf32> to vector<8x128xf32>
    %add3A = arith.addf %get3A_3, %get3A_8 : vector<8x128xf32>
    %add3A_9 = arith.constant 2.000000e+00 : f32
    %add3A_10 = vector.broadcast %add3A_9 : f32 to vector<8x128xf32>
    %add3A_11 = arith.addf %add3A, %add3A_10 : vector<8x128xf32>
    %rsqrt3A = math.rsqrt %add3A_11 : vector<8x128xf32>
    %get3A_12 = arith.constant 0 : index
    %get3A_13 = arith.constant 0 : index
    %get3A_14 = arith.constant 0 : index
    %get3A_15 = vector.load %arg2[%get3A_12, %get3A_13, %get3A_14] : memref<2x1024x128xf32, #tpu.memory_space<vmem>>, vector<1x1024x128xf32>
    %get3A_16 = vector.shape_cast %get3A_15 : vector<1x1024x128xf32> to vector<1024x128xf32>
    %get3A_17 = arith.constant 1 : index
    %get3A_18 = arith.constant 0 : index
    %get3A_19 = arith.constant 0 : index
    %get3A_20 = vector.load %arg2[%get3A_17, %get3A_18, %get3A_19] : memref<2x1024x128xf32, #tpu.memory_space<vmem>>, vector<1x1024x128xf32>
    %get3A_21 = vector.shape_cast %get3A_20 : vector<1x1024x128xf32> to vector<1024x128xf32>
    %add3A_22 = arith.addf %get3A_16, %get3A_21 : vector<1024x128xf32>
    %get3A_23 = arith.constant 0 : index
    %get3A_24 = arith.constant 0 : index
    %get3A_25 = vector.load %arg3[%get3A_23, %get3A_24] : memref<1024x128xf32, #tpu.memory_space<vmem>>, vector<1024x128xf32>
    %mul3A = arith.constant 2.000000e+00 : f32
    %mul3A_26 = vector.broadcast %mul3A : f32 to vector<1024x128xf32>
    %mul3A_27 = arith.mulf %mul3A_26, %get3A_25 : vector<1024x128xf32>
    %add3A_28 = arith.addf %add3A_22, %mul3A_27 : vector<1024x128xf32>
    %reshape3A = vector.shape_cast %add3A_28 : vector<1024x128xf32> to vector<8x128x128xf32>
    %broadcast_in_dim3A = vector.shape_cast %rsqrt3A : vector<8x128xf32> to vector<8x128x1xf32>
    %mul3A_29 = vector.broadcast %broadcast_in_dim3A : vector<8x128x1xf32> to vector<8x128x128xf32>
    %mul3A_30 = arith.mulf %reshape3A, %mul3A_29 : vector<8x128x128xf32>
    %reshape3A_31 = vector.shape_cast %mul3A_30 : vector<8x128x128xf32> to vector<1024x128xf32>
    %get3A_32 = arith.constant 0 : index
    %get3A_33 = arith.constant 0 : index
    %get3A_34 = vector.load %arg4[%get3A_32, %get3A_33] : memref<1x128xf32, #tpu.memory_space<vmem>>, vector<1x128xf32>
    %add3A_35 = vector.broadcast %get3A_34 : vector<1x128xf32> to vector<1024x128xf32>
    %add3A_36 = arith.addf %reshape3A_31, %add3A_35 : vector<1024x128xf32>
    %max3A = arith.constant 0.000000e+00 : f32
    %max3A_37 = vector.broadcast %max3A : f32 to vector<1024x128xf32>
    %max3A_38 = arith.maximumf %add3A_36, %max3A_37 : vector<1024x128xf32>
    %reduce_max3A = arith.constant dense<0xFF800000> : vector<1024xf32>
    %reduce_max3A_39 = vector.multi_reduction <maximumf>, %max3A_38, %reduce_max3A [1] : vector<1024x128xf32> to vector<1024xf32>
    %broadcast_in_dim3A_40 = vector.shape_cast %reduce_max3A_39 : vector<1024xf32> to vector<1024x1xf32>
    %sub3A = vector.broadcast %broadcast_in_dim3A_40 : vector<1024x1xf32> to vector<1024x128xf32>
    %sub3A_41 = arith.subf %max3A_38, %sub3A : vector<1024x128xf32>
    %exp3A = math.exp %sub3A_41 : vector<1024x128xf32>
    %reduce_sum3A = arith.constant dense<0.000000e+00> : vector<1024xf32>
    %reduce_sum3A_42 = vector.multi_reduction <add>, %exp3A, %reduce_sum3A [1] : vector<1024x128xf32> to vector<1024xf32>
    %broadcast_in_dim3A_43 = vector.shape_cast %reduce_sum3A_42 : vector<1024xf32> to vector<1024x1xf32>
    %log3A = math.log %broadcast_in_dim3A_43 : vector<1024x1xf32>
    %add3A_44 = arith.addf %log3A, %broadcast_in_dim3A_40 : vector<1024x1xf32>
    %sub3A_45 = vector.broadcast %add3A_44 : vector<1024x1xf32> to vector<1024x128xf32>
    %sub3A_46 = arith.subf %max3A_38, %sub3A_45 : vector<1024x128xf32>
    %swap3A = arith.constant 0 : index
    %swap3A_47 = arith.constant 0 : index
    %swap3A_48 = vector.load %arg5[%swap3A, %swap3A_47] : memref<1024x128xf32, #tpu.memory_space<vmem>>, vector<1024x128xf32>
    tpu.vector_store %arg5[%swap3A, %swap3A_47], %sub3A_46 {strides = array<i32>} : memref<1024x128xf32, #tpu.memory_space<vmem>>, vector<1024x128xf32>,
    return
  }
  func.func @transform_0(%arg0: i32) -> (i32, i32, i32) {
    %c0_i32 = arith.constant 0 : i32
    %c0_i32_0 = arith.constant 0 : i32
    %c0_i32_1 = arith.constant 0 : i32
    return %c0_i32, %arg0, %c0_i32_0 : i32, i32, i32
  }
  func.func @transform_1(%arg0: i32) -> (i32, i32, i32) {
    %c0_i32 = arith.constant 0 : i32
    %c0_i32_0 = arith.constant 0 : i32
    %c0_i32_1 = arith.constant 0 : i32
    return %c0_i32, %arg0, %c0_i32_0 : i32, i32, i32
  }
  func.func @transform_2(%arg0: i32) -> (i32, i32) {
    %c0_i32 = arith.constant 0 : i32
    %c0_i32_0 = arith.constant 0 : i32
    return %arg0, %c0_i32 : i32, i32
  }
  func.func @transform_3(%arg0: i32) -> (i32, i32) {
    %c0_i32 = arith.constant 0 : i32
    %c0_i32_0 = arith.constant 0 : i32
    %c0_i32_1 = arith.constant 0 : i32
    return %c0_i32, %c0_i32_0 : i32, i32
  }
  func.func @transform_4(%arg0: i32) -> (i32, i32) {
    %c0_i32 = arith.constant 0 : i32
    %c0_i32_0 = arith.constant 0 : i32
    return %arg0, %c0_i32 : i32, i32
  }
}

</mosaic_0001>

<sc_bundles>
// kernel: kernel.10.cloned.1.call-start
scs
__scs_entry_jumppad:
0x0: {  	(pc) =	sbr.rel $0x88, $3  }
0x1: {  	(tag) =	ssettag $0x0;
	lr =	simm.s32 $0x1  }
0x2: {  	[smem:$0x3F9D] =	sst lr;
	_ =	strace $0xD0000000  }
0x3: {  	_ = 	snop  }
0x4: {  	_ = 	snop  }
0x5: {  	_ = 	snop  }
0x6: {  	_ = 	snop  }
0x7: {  	_ = 	snop  }
__scs_overlays_trampoline_lowered:
0x8: {  	[smem:$0x3FAC] =	sst s0  }
0x9: {  	[smem:$0x3FAD] =	sst s1  }
0xa: {  	[smem:$0x3FAE] =	sst s2  }
0xb: {  	[smem:$0x3FAF] =	sst s3  }
0xc: {  	[smem:$0x3FB0] =	sst s4  }
0xd: {  	[smem:$0x3FB1] =	sst s5  }
0xe: {  	[smem:$0x3FB2] =	sst s6  }
0xf: {  	[smem:$0x3FB3] =	sst s7  }
0x10: {  	[smem:$0x3FB4] =	sst s8  }
0x11: {  	[smem:$0x3FB5] =	sst s9;
	s0 =	simm.s32 @!p0 $0x0  }
0x12: {  	s1 =	sld [smem:$0x3F9B];
	s0 =	simm.s32 @p0 $0x1  }
0x13: {  	[smem:$0x3FB6] =	sst s0;
	s0 =	simm.s32 @!p1 $0x0  }
0x14: {  	s2 =	sld [smem:$0x3F9A];
	s0 =	simm.s32 @p1 $0x1  }
0x15: {  	[smem:$0x3FB7] =	sst s0;
	s0 =	simm.s32 @!p2 $0x0  }
0x16: {  	s3 =	sld [smem:$0x3FDB];
	s0 =	simm.s32 @p2 $0x1  }
0x17: {  	s4 =	simm.s32 $0x1BF5;
	[smem:$0x3FB9] =	sst s0  }
0x18: {  	s0 =	sld [smem:$0x3F9C];
	_ =	swait.ge [sflag:s4], $0x0  }
0x19: {  	s7 =	sld [smem:$0x3F9D]  }
0x1a: {  	s8 =	sadd.s32 $0xFFFFE003, lr  }
0x1b: {  	s9 =	sadd.s32 $0xFFFFFEF7, lr;
	s5 =	simm.s32 $0xFFFFFFFF;
	p2 =	slt.u32 s8, $0xFFFFF086  }
0x1c: {  	p1 =	slt.u32 s9, $0xF7A;
	s5 =	simm.s32 @!p2 $0x0  }
0x1d: {  	s5 =	simm.s32 @p1 $0x1;
	p0 =	seq.s32 s7, s2  }
0x1e: {  	s7 =	smul.u32 @!p0 $0xF7A, s2;
	p2 =	seq.s32 @!p0 s5, $0x0  }
0x1f: {  	s9 =	smul.u32 $0xF7A, s1;
	s8 =	simm.s32 @!p0 $0x1BF5;
	p2 =	por !p2, p0  }
0x20: {  	[sflag:s8] =	ssyncset.s32 @!p0 $0xFFFFF086;
	s6 =	sadd.s32 @!p0 s3, s7;
	s7 =	simm.s32 @!p0 $0x108  }
0x21: {  	s3 =	sadd.s32 s3, s9;
	s6 =	sadd.s32 @!p0 $0x88, s6;
	s7 =	simm.s32 @p2 $0x1082  }
0x22: {  	[simem:s7], [sflag:s8] =	dma.local @!p0 [hbm:s6], $0xF7A  }
0x23: {  	s9 =	sor.u32 $0xD0000000, s2;
	s6 =	simm.s32 $0x108;
	_ =	swait.ge @!p0 [sflag:s8], $0x0  }
0x24: {  	s3 =	sadd.s32 $0x88, s3;
	s6 =	simm.s32 @!p1 $0x1082;
	[sflag:s4] =	ssyncset.s32 $0xFFFFF086  }
0x25: {  	[simem:s6], [sflag:s4] =	dma.local [hbm:s3], $0xF7A  }
0x26: {  	[smem:$0x3F9D] =	sst s1;
	(tag) =	ssettag s2;
	_ =	strace s9  }
0x27: {  	s1 =	sld [smem:$0x3FAD]  }
0x28: {  	s2 =	sld [smem:$0x3FAE]  }
0x29: {  	s4 =	sld [smem:$0x3FB0]  }
0x2a: {  	p0 =	seq.s32 s5, $0x0;
	s5 =	sld [smem:$0x3FB1]  }
0x2b: {  	s6 =	sld [smem:$0x3FB2]  }
0x2c: {  	s7 =	sld [smem:$0x3FB3]  }
0x2d: {  	s3 =	simm.s32 $0x108;
	s8 =	sld [smem:$0x3FB4]  }
0x2e: {  	s3 =	simm.s32 @!p0 $0x1082;
	s9 =	sld [smem:$0x3FB5]  }
0x2f: {  	lr =	sadd.s32 s0, s3;
	s0 =	sld [smem:$0x3FAC]  }
0x30: {  	s3 =	sld [smem:$0x3FAF]  }
0x31: {  	[smem:$0x3FB8] =	sst s10  }
0x32: {  	s10 =	sld [smem:$0x3FB6];
	_ =	sdelay $0x3  }
0x33: {  	p0 =	seq.s32 s10, $0x1;
	s10 =	sld [smem:$0x3FB8];
	_ =	sdelay $0x3  }
0x34: {  	[smem:$0x3FB8] =	sst s10  }
0x35: {  	s10 =	sld [smem:$0x3FB7];
	_ =	sdelay $0x3  }
0x36: {  	p1 =	seq.s32 s10, $0x1;
	s10 =	sld [smem:$0x3FB8];
	_ =	sdelay $0x3  }
0x37: {  	[smem:$0x3FB8] =	sst s10  }
0x38: {  	s10 =	sld [smem:$0x3FB9]  }
0x39: {  	_ = 	snop;
	(pc) =	sbr.ind lr, $3  }
0x3a: {  	_ = 	snop  }
0x3b: {  	_ = 	snop  }
0x3c: {  	p2 =	seq.s32 s10, $0x1;
	s10 =	sld [smem:$0x3FB8]  }
0x3d: {  	_ =	shalt  }
0x3e: {  	_ =	shalt  }
0x3f: {  	_ =	shalt  }
0x40: {  	_ =	shalt  }
0x41: {  	_ =	shalt  }
0x42: {  	_ =	shalt  }
0x43: {  	_ =	shalt  }
0x44: {  	_ =	shalt  }
0x45: {  	_ =	shalt  }
0x46: {  	_ =	shalt  }
0x47: {  	_ =	shalt  }
0x48: {  	_ =	shalt  }
0x49: {  	_ =	shalt  }
0x4a: {  	_ =	shalt  }
0x4b: {  	_ =	shalt  }
0x4c: {  	_ =	shalt  }
0x4d: {  	_ =	shalt  }
0x4e: {  	_ =	shalt  }
0x4f: {  	_ =	shalt  }
0x50: {  	_ =	shalt  }
0x51: {  	_ =	shalt  }
0x52: {  	_ =	shalt  }
0x53: {  	_ =	shalt  }
0x54: {  	_ =	shalt  }
0x55: {  	_ =	shalt  }
0x56: {  	_ =	shalt  }
0x57: {  	_ =	shalt  }
0x58: {  	_ =	shalt  }
0x59: {  	_ =	shalt  }
0x5a: {  	_ =	shalt  }
0x5b: {  	_ =	shalt  }
0x5c: {  	_ =	shalt  }
0x5d: {  	_ =	shalt  }
0x5e: {  	_ =	shalt  }
0x5f: {  	_ =	shalt  }
0x60: {  	_ =	shalt  }
0x61: {  	_ =	shalt  }
0x62: {  	_ =	shalt  }
0x63: {  	_ =	shalt  }
0x64: {  	_ =	shalt  }
0x65: {  	_ =	shalt  }
0x66: {  	_ =	shalt  }
0x67: {  	_ =	shalt  }
0x68: {  	_ =	shalt  }
0x69: {  	_ =	shalt  }
0x6a: {  	_ =	shalt  }
0x6b: {  	_ =	shalt  }
0x6c: {  	_ =	shalt  }
0x6d: {  	_ =	shalt  }
0x6e: {  	_ =	shalt  }
0x6f: {  	_ =	shalt  }
0x70: {  	_ =	shalt  }
0x71: {  	_ =	shalt  }
0x72: {  	_ =	shalt  }
0x73: {  	_ =	shalt  }
0x74: {  	_ =	shalt  }
0x75: {  	_ =	shalt  }
0x76: {  	_ =	shalt  }
0x77: {  	_ =	shalt  }
0x78: {  	_ =	shalt  }
0x79: {  	_ =	shalt  }
0x7a: {  	_ =	shalt  }
0x7b: {  	_ =	shalt  }
0x7c: {  	_ =	shalt  }
0x7d: {  	_ =	shalt  }
0x7e: {  	_ =	shalt  }
0x7f: {  	_ =	shalt  }
0x80: {  	_ =	shalt  }
0x81: {  	_ =	shalt  }
0x82: {  	_ =	shalt  }
0x83: {  	_ =	shalt  }
0x84: {  	_ =	shalt  }
0x85: {  	_ =	shalt  }
0x86: {  	_ =	shalt  }
0x87: {  	_ =	shalt  }
.Lfunc_end0:
.L_simem_size_0:
called_computation.1_lowered:
.L_overlay_start_0:
0x88: {  	s2 =	sld [smem:$0x3FD9]  }
0x89: {  	s3 =	sld [smem:$0x3FFE];
	_ =	sdelay $0x1  }
0x8a: {  	s1 =	srdreg.scid  }
0x8b: {  	s0 =	sand.u32 $0x1, s1  }
0x8c: {  	s17 =	sshll.u32 s0, $0xA;
	s2 =	sadd.s32 s3, s2  }
0x8d: {  	s2 =	sadd.s32 s2, s17  }
0x8e: {  	[smem:$0x3FC4] =	sst s2  }
0x8f: {  	_ = 	snop  }
0x90: {  	s2 =	sld [smem:$0x3FD0];
	(tm) =	ssettm $0x1  }
0x91: {  	s18 =	sld [smem:$0x3FFB];
	_ =	sdelay $0x3  }
0x92: {  	_ =	strace s18  }
0x93: {  	s3 =	sld [smem:$0x3FFC];
	_ =	sdelay $0x3  }
0x94: {  	_ =	strace s3  }
0x95: {  	s3 =	sld [smem:$0x3FFD];
	_ =	sdelay $0x3  }
0x96: {  	_ =	strace s3  }
0x97: {  	_ =	strace $0x8FFFFFFF  }
0x98: {  	s19 =	sld [smem:$0x3FDB];
	_ =	sdelay $0x1  }
0x99: {  	s4 =	simm.s32 $_scs_section_size  }
0x9a: {  	s5 =	simm.s32 $_size__tile_overlayer_lowered;
	s6 =	simm.s32 $_tile_overlayer_lowered  }
0x9b: {  	s22 =	simm.s32 $0x1BFF;
	s21 =	sshll.u32 s6, $0x1;
	s3 =	sadd.s32 s4, s19  }
0x9c: {  	s7 =	simm.s32 $0x0;
	s20 =	sshll.u32 s5, $0x1;
	s5 =	sadd.s32 s21, s3  }
0x9d: {  	[timem:s7], [sflag:s22] =	dma.local [hbm:s5], s20  }
0x9e: {  	_ =	swait.ge [sflag:s22], s20  }
0x9f: {  	s4 =	ssub.s32 $0x0, s20;
	[sflag:s22] =	ssyncset.done $0x0  }
0xa0: {  	[sflag:s22] =	ssyncadd.s32 s4;
	_ =	sdelay $0x1  }
0xa1: {  	s23 =	simm.s32 $0x1B8B  }
0xa2: {  	_ =	swait.ge [sflag:s23], $0x1  }
0xa3: {  	[sflag:s23] =	ssyncset.done $0x0  }
0xa4: {  	s25 =	simm.s32 $0x1B8E;
	s24 =	sld [smem:$0x3FFE];
	[sflag:s23] =	ssyncadd.s32 $0xFFFFFFFF  }
0xa5: {  	s26 =	simm.s32 $execute0_lowered;
	[smem:$0x3FD2] =	sst s25  }
0xa6: {  	s5 =	sshll.u32 s26, $0x1;
	_ =	strace $0x80000049;
	[dreg:$0x1] =	wrdreg $0xFFFFFFFF  }
0xa7: {  	s28 =	simm.s32 $_size_execute0_lowered;
	s3 =	sadd.s32 s3, s5;
	[dreg:$0x0] =	wrdreg $0x0  }
0xa8: {  	s5 =	sshll.u32 s28, $0x1;
	[dreg:$0x2] =	wrdreg s3  }
0xa9: {  	[dreg:$0x3] =	wrdreg s5  }
0xaa: {  	[dreg:$0x4] =	wrdreg $0xC0  }
0xab: {  	_ =	task [dreg:s7], $0x5FFFF  }
0xac: {  	[dreg:$0x1] =	wrdreg $0xFFFFFFFF  }
0xad: {  	[dreg:$0x0] =	wrdreg $0x60  }
0xae: {  	[dreg:$0x2] =	wrdreg s24  }
0xaf: {  	[dreg:$0x3] =	wrdreg s2  }
0xb0: {  	[dreg:$0x4] =	wrdreg $0x90000  }
0xb1: {  	[dreg:$0x5] =	wrdreg $0x9  }
0xb2: {  	_ =	task.clear_ibuf [dreg:s7], $0x6FFFF;
	_ =	strace $0x90000049  }
0xb3: {  	s29 =	simm.s32 $0x9;
	_ =	strace $0x8000004B  }
0xb4: {  	_ =	swait.ge [sflag:s29], $0x1  }
0xb5: {  	[sflag:s29] =	ssyncadd.s32 $0xFFFFFFFF  }
0xb6: {  	_ =	strace $0x9000004B  }
0xb7: {  	_ =	sfence  }
0xb8: {  	s30 =	sld [smem:$0x0];
	_ =	sdelay $0x2  }
0xb9: {  	s31 =	sshll.u32 s1, $0xD;
	s1 =	sshrl.u32 s1, $0x2  }
0xba: {  	s3 =	sand.u32 $0x4000, s31;
	s1 =	sadd.s32 s1, s30  }
0xbb: {  	s0 =	sor.u32 s3, s0;
	s1 =	sshll.u32 s1, $0x11  }
0xbc: {  	s0 =	sor.u32 s1, s0  }
0xbd: {  	s0 =	sadd.s32 $0x8F2B, s0  }
0xbe: {  	[sflag:s0] =	ssyncadd.remote.s32 $0x1  }
0xbf: {  	_ =	sfence.sel $0xFFFF  }
0xc0: {  	[dreg:$0x0] =	wrdreg $0xFFFFFFFF;
	(pc) =	sbr.abs _section_cstart, $3  }
0xc1: {  	[dreg:$0x1] =	wrdreg $0xFFFFFFFF  }
0xc2: {  	_ =	task.clear_ibuf [dreg:s7], $0x2FFFF;
	_ =	strace $0x9FFFFFFF  }
0xc3: {  	(tm) =	ssettm $0x7FFFFFFF  }
tec
execute0_lowered:
.L_overlay_start_1:
0x0: {  	(tag) =	ssettag $0x1  }
0x1: {  	s5 =	rddreg [dreg:$0x0]  }
0x2: {  	s14 =	rddreg [dreg:$0x1]  }
0x3: {  	s1 =	rddreg [dreg:$0x2]  }
0x4: {  	s0 =	rddreg [dreg:$0x3];
	s2 =	simm.s32 $0x0;
	s3 =	srdreg.scid  }
0x5: {  	s16 =	simm.s32 $0x4;
	s17 =	simm.s32 $0x800;
	s18 =	simm.s32 $0x80  }
0x6: {  	s19 =	simm.s32 $0x5000;
	s20 =	simm.s32 $0x1;
	s6 =	sand.u32 $0x1, s3  }
0x7: {  	s21 =	simm.s32 $0x2;
	s3 =	stileid.u32;
	s7 =	smul.u32 $0x28000, s6  }
0x8: {  	[smem:$0x7FF] =	sst s2;
	s4 =	sadd.s32 $0xBE00, s5;
	s9 =	smul.u32 $0x50000, s3  }
0x9: {  	s12 =	sadd.s32 $0x1E00, s5;
	_ =	strace $0x8000004A;
	s13 =	smul.u32 $0xA0, s6  }
0xa: {  	s8 =	sshll.u32 s6, $0x4;
	s10 =	ssub.s32 $0x2, s6;
	s29 =	smul.u32 $0xA, s3  }
0xb: {  	s23 =	smul.u32 $0x2800, s3;
	s8 =	sor.u32 s3, s8;
	s26 =	sshrl.u32 s10, $0x1  }
0xc: {  	s8 =	smul.u32 $0x500, s8;
	s11 =	sadd.s32 s7, s5;
	s28 =	sshrl.u32 s9, $0x2  }
0xd: {  	s10 =	ssub.s32 s10, s26;
	s30 =	sadd.s32 s29, s13;
	s5 =	sadd.s32 s28, s1  }
0xe: {  	s22 =	sadd.s32 $0x33E00, s11;
	s15 =	sshll.u32 s30, $0x7;
	s6 =	sadd.s32 s12, s8  }
0xf: {  	s7 =	sadd.s32 s14, s8;
	s8 =	smax.u32 s10, $0x1;
	s9 =	sadd.s32 $0x4000, s5  }
0x10: {  	s10 =	sadd.s32 $0x8000, s5;
	s11 =	sadd.s32 $0xC000, s5;
	s31 =	sadd.s32 s15, s12  }
0x11: {  	s12 =	sadd.s32 $0x10000, s5;
	s14 =	sadd.s32 s15, s14;
	s15 =	simm.s32 $0x1000  }
0x12: {  	v0 =	vimm.f32 $0.0e+00;
	s22 =	sadd.s32 s23, s22;
	s13 =	sadd.s32 $0x80, s31;
	s14 =	sadd.s32 $0x80, s14  }
.LBB2_1:
0x13: {  	s23 =	simm.s32 $0x0;
	s24 =	simm.s32 $0x200  }
.LBB2_2:
0x14: {  	p0 =	sne.s32 s24, $0xFE00;
	[tilespmem:s23+$0x1070] =	vst v0  }
0x15: {  	[tilespmem:s23+$0x1000] =	vst v0  }
0x16: {  	[tilespmem:s23+$0x1010] =	vst v0  }
.Ltmp0:
0x17: {  	[tilespmem:s23+$0x1020] =	vst v0;
	(pc) =	sbr.rel @p0 .LBB2_2-.Ltmp0, $4  }
0x18: {  	[tilespmem:s23+$0x1030] =	vst v0  }
0x19: {  	[tilespmem:s23+$0x1040] =	vst v0  }
0x1a: {  	[tilespmem:s23+$0x1050] =	vst v0  }
0x1b: {  	[tilespmem:s23+$0x1060] =	vst v0;
	s23 =	sshra.s32 s24, $0x2;
	s24 =	sadd.s32 $0x200, s24  }
0x1c: {  	[tilespmem:s23+$0x1070] =	vst v0  }
0x1d: {  	[tilespmem:s23+$0x1000] =	vst v0  }
0x1e: {  	[tilespmem:s23+$0x1010] =	vst v0  }
0x1f: {  	[tilespmem:s23+$0x1020] =	vst v0  }
0x20: {  	[tilespmem:s23+$0x1030] =	vst v0  }
0x21: {  	[tilespmem:s23+$0x1040] =	vst v0  }
0x22: {  	[tilespmem:s23+$0x1050] =	vst v0  }
0x23: {  	[tilespmem:s23+$0x1060] =	vst v0  }
0x24: {  	[spmem:s5] =	stream.linear.scatter [tilespmem:s15], [sflag:$0x4], $0x4000, $0x38;
	[tilespmem:$0x1D000] =	vst v63  }
0x25: {  	_ =	swait.ge [sflag:s16], $0x4000  }
0x26: {  	[sflag:s16] =	ssyncset.done $0x0  }
0x27: {  	[sflag:s16] =	ssyncadd.s32 $0xFFFFC000  }
0x28: {  	[spmem:s9] =	stream.linear.scatter [tilespmem:s15], [sflag:$0x4], $0x4000, $0x38;
	[tilespmem:$0x1D000] =	vst v63  }
0x29: {  	_ =	swait.ge [sflag:s16], $0x4000  }
0x2a: {  	[sflag:s16] =	ssyncset.done $0x0  }
0x2b: {  	[sflag:s16] =	ssyncadd.s32 $0xFFFFC000  }
0x2c: {  	[spmem:s10] =	stream.linear.scatter [tilespmem:s15], [sflag:$0x4], $0x4000, $0x38;
	[tilespmem:$0x1D000] =	vst v63  }
0x2d: {  	_ =	swait.ge [sflag:s16], $0x4000  }
0x2e: {  	[sflag:s16] =	ssyncset.done $0x0  }
0x2f: {  	[sflag:s16] =	ssyncadd.s32 $0xFFFFC000  }
0x30: {  	[spmem:s11] =	stream.linear.scatter [tilespmem:s15], [sflag:$0x4], $0x4000, $0x38;
	[tilespmem:$0x1D000] =	vst v63  }
0x31: {  	_ =	swait.ge [sflag:s16], $0x4000  }
0x32: {  	[sflag:s16] =	ssyncset.done $0x0  }
0x33: {  	[sflag:s16] =	ssyncadd.s32 $0xFFFFC000  }
0x34: {  	[spmem:s12] =	stream.linear.scatter [tilespmem:s15], [sflag:$0x4], $0x4000, $0x38;
	[tilespmem:$0x1D000] =	vst v63  }
0x35: {  	_ =	swait.ge [sflag:s16], $0x4000  }
0x36: {  	[sflag:s16] =	ssyncset.done $0x0  }
0x37: {  	[sflag:s16] =	ssyncadd.s32 $0xFFFFC000  }
0x38: {  	s29 =	simm.s32 $0x0;
	[bflag:$0x0] =	sbarrier.arrive $0xFFFF  }
0x39: {  	[tilespmem:s29], [sflag:$0x4] =	stream.linear.gather [hbm4b:s6+s29], $0x400, $0x38;
	[tilespmem:$0x1D000] =	vst v63  }
0x3a: {  	_ =	swait.ge [sflag:s16], $0x400  }
0x3b: {  	[sflag:s16] =	ssyncset.done $0x0  }
0x3c: {  	[sflag:s16] =	ssyncadd.s32 $0xFFFFFC00  }
0x3d: {  	[tilespmem:s17], [sflag:$0x4] =	stream.linear.gather [hbm4b:s7+s29], $0x400, $0x38;
	[tilespmem:$0x1D000] =	vst v63  }
0x3e: {  	_ =	swait.ge [sflag:s16], $0x400  }
0x3f: {  	s24 =	sand.u32 $0x1, s29;
	[sflag:s16] =	ssyncset.done $0x0  }
0x40: {  	p0 =	por $0x0, $0x0;
	s23 =	sxor.u32 $0x1, s24;
	[sflag:s16] =	ssyncadd.s32 $0xFFFFFC00  }
0x41: {  	[tilespmem:s15], [sflag:$0x1] =	stream.indirect.gather [hbm4b:s4+s18], $0x80, s29, s18, $0xb8;
	[tilespmem:$0x1D000] =	vst v63  }
0x42: {  	s25 =	simm.s32 @!p0 $0x0;
	s23 =	sshll.u32 @!p0 s23, $0xA  }
0x43: {  	[tilespmem:s23], [sflag:$0x3] =	stream.linear.gather @!p0 [hbm4b:s13+s25], $0x400, $0x38;
	[tilespmem:$0x1D000] =	vst v63  }
0x44: {  	s24 =	sshll.u32 s24, $0xA;
	s26 =	sor.u32 @!p0 $0x800, s23  }
0x45: {  	[tilespmem:s26], [sflag:$0x3] =	stream.linear.gather @!p0 [hbm4b:s14+s25], $0x400, $0x38;
	[tilespmem:$0x1D000] =	vst v63  }
0x46: {  	s30 =	sor.u32 $0x80, s24  }
0x47: {  	[tilespmem:s19], [sflag:$0x2] =	stream.indirect.gather [hbm4b:s4+s18], $0x80, s30, s18, $0xb8;
	[tilespmem:$0x1D000] =	vst v63  }
0x48: {  	_ =	swait.ge [sflag:s20], $0x4000  }
0x49: {  	[sflag:s20] =	ssyncset.done $0x0  }
0x4a: {  	s31 =	sor.u32 $0x800, s24;
	[sflag:s20] =	ssyncadd.s32 $0xFFFFC000  }
0x4b: {  	[spmem:s1] =	stream.indirect.scatter.add.f32 [tilespmem:s15], [sflag:$0x4], $0x80, s31, s18, $0xb8;
	[tilespmem:$0x1D000] =	vst v63  }
0x4c: {  	_ =	swait.ge [sflag:s16], $0x4000  }
0x4d: {  	[sflag:s16] =	ssyncset.done $0x0  }
0x4e: {  	s26 =	sor.u32 $0x100, s24;
	[sflag:s16] =	ssyncadd.s32 $0xFFFFC000  }
0x4f: {  	[tilespmem:s15], [sflag:$0x1] =	stream.indirect.gather [hbm4b:s4+s18], $0x80, s26, s18, $0xb8;
	[tilespmem:$0x1D000] =	vst v63  }
0x50: {  	_ =	swait.ge [sflag:s21], $0x4000  }
0x51: {  	[sflag:s21] =	ssyncset.done $0x0  }
0x52: {  	s29 =	sor.u32 $0x880, s24;
	[sflag:s21] =	ssyncadd.s32 $0xFFFFC000  }
0x53: {  	[spmem:s1] =	stream.indirect.scatter.add.f32 [tilespmem:s19], [sflag:$0x4], $0x80, s29, s18, $0xb8;
	[tilespmem:$0x1D000] =	vst v63  }
0x54: {  	_ =	swait.ge [sflag:s16], $0x4000  }
0x55: {  	[sflag:s16] =	ssyncset.done $0x0  }
0x56: {  	s30 =	sor.u32 $0x180, s24;
	[sflag:s16] =	ssyncadd.s32 $0xFFFFC000  }
0x57: {  	[tilespmem:s19], [sflag:$0x2] =	stream.indirect.gather [hbm4b:s4+s18], $0x80, s30, s18, $0xb8;
	[tilespmem:$0x1D000] =	vst v63  }
0x58: {  	_ =	swait.ge [sflag:s20], $0x4000  }
0x59: {  	[sflag:s20] =	ssyncset.done $0x0  }
0x5a: {  	s31 =	sor.u32 $0x900, s24;
	[sflag:s20] =	ssyncadd.s32 $0xFFFFC000  }
0x5b: {  	[spmem:s1] =	stream.indirect.scatter.add.f32 [tilespmem:s15], [sflag:$0x4], $0x80, s31, s18, $0xb8;
	[tilespmem:$0x1D000] =	vst v63  }
0x5c: {  	_ =	swait.ge [sflag:s16], $0x4000  }
0x5d: {  	[sflag:s16] =	ssyncset.done $0x0  }
0x5e: {  	s26 =	sor.u32 $0x200, s24;
	[sflag:s16] =	ssyncadd.s32 $0xFFFFC000  }
0x5f: {  	[tilespmem:s15], [sflag:$0x1] =	stream.indirect.gather [hbm4b:s4+s18], $0x80, s26, s18, $0xb8;
	[tilespmem:$0x1D000] =	vst v63  }
0x60: {  	_ =	swait.ge [sflag:s21], $0x4000  }
0x61: {  	[sflag:s21] =	ssyncset.done $0x0  }
0x62: {  	s29 =	sor.u32 $0x980, s24;
	[sflag:s21] =	ssyncadd.s32 $0xFFFFC000  }
0x63: {  	[spmem:s1] =	stream.indirect.scatter.add.f32 [tilespmem:s19], [sflag:$0x4], $0x80, s29, s18, $0xb8;
	[tilespmem:$0x1D000] =	vst v63  }
0x64: {  	_ =	swait.ge [sflag:s16], $0x4000  }
0x65: {  	[sflag:s16] =	ssyncset.done $0x0  }
0x66: {  	s30 =	sor.u32 $0x280, s24;
	[sflag:s16] =	ssyncadd.s32 $0xFFFFC000  }
0x67: {  	[tilespmem:s19], [sflag:$0x2] =	stream.indirect.gather [hbm4b:s4+s18], $0x80, s30, s18, $0xb8;
	[tilespmem:$0x1D000] =	vst v63  }
0x68: {  	_ =	swait.ge [sflag:s20], $0x4000  }
0x69: {  	[sflag:s20] =	ssyncset.done $0x0  }
0x6a: {  	s31 =	sor.u32 $0xA00, s24;
	[sflag:s20] =	ssyncadd.s32 $0xFFFFC000  }
0x6b: {  	[spmem:s1] =	stream.indirect.scatter.add.f32 [tilespmem:s15], [sflag:$0x4], $0x80, s31, s18, $0xb8;
	[tilespmem:$0x1D000] =	vst v63  }
0x6c: {  	_ =	swait.ge [sflag:s16], $0x4000  }
0x6d: {  	[sflag:s16] =	ssyncset.done $0x0  }
0x6e: {  	s26 =	sor.u32 $0x300, s24;
	[sflag:s16] =	ssyncadd.s32 $0xFFFFC000  }
0x6f: {  	[tilespmem:s15], [sflag:$0x1] =	stream.indirect.gather [hbm4b:s4+s18], $0x80, s26, s18, $0xb8;
	[tilespmem:$0x1D000] =	vst v63  }
0x70: {  	_ =	swait.ge [sflag:s21], $0x4000  }
0x71: {  	[sflag:s21] =	ssyncset.done $0x0  }
0x72: {  	s29 =	sor.u32 $0xA80, s24;
	[sflag:s21] =	ssyncadd.s32 $0xFFFFC000  }
0x73: {  	[spmem:s1] =	stream.indirect.scatter.add.f32 [tilespmem:s19], [sflag:$0x4], $0x80, s29, s18, $0xb8;
	[tilespmem:$0x1D000] =	vst v63  }
0x74: {  	_ =	swait.ge [sflag:s16], $0x4000  }
0x75: {  	[sflag:s16] =	ssyncset.done $0x0  }
0x76: {  	s30 =	sor.u32 $0x380, s24;
	[sflag:s16] =	ssyncadd.s32 $0xFFFFC000  }
0x77: {  	[tilespmem:s19], [sflag:$0x2] =	stream.indirect.gather [hbm4b:s4+s18], $0x80, s30, s18, $0xb8;
	[tilespmem:$0x1D000] =	vst v63  }
0x78: {  	_ =	swait.ge [sflag:s20], $0x4000  }
0x79: {  	[sflag:s20] =	ssyncset.done $0x0  }
0x7a: {  	s24 =	sor.u32 $0xB00, s24;
	[sflag:s20] =	ssyncadd.s32 $0xFFFFC000  }
0x7b: {  	[spmem:s1] =	stream.indirect.scatter.add.f32 [tilespmem:s15], [sflag:$0x4], $0x80, s24, s18, $0xb8;
	[tilespmem:$0x1D000] =	vst v63  }
0x7c: {  	_ =	swait.ge [sflag:s16], $0x4000  }
0x7d: {  	[sflag:s16] =	ssyncset.done $0x0  }
0x7e: {  	s24 =	simm.s32 @!p0 $0x3;
	[sflag:s16] =	ssyncadd.s32 $0xFFFFC000  }
0x7f: {  	_ =	swait.ge @!p0 [sflag:s24], $0x400  }
0x80: {  	[sflag:s24] =	ssyncset.done @!p0 $0x0  }
0x81: {  	[sflag:s24] =	ssyncadd.s32 @!p0 $0xFFFFFC00  }
0x82: {  	_ =	swait.ge @!p0 [sflag:s24], $0x400  }
0x83: {  	[sflag:s24] =	ssyncset.done @!p0 $0x0  }
0x84: {  	s25 =	simm.s32 @!p0 $0x1000;
	[sflag:s24] =	ssyncadd.s32 @!p0 $0xFFFFFC00;
	s24 =	simm.s32 @!p0 $0x80  }
0x85: {  	[tilespmem:s25], [sflag:$0x1] =	stream.indirect.gather @!p0 [hbm4b:s4+s24], $0x80, s23, s24, $0xb8;
	[tilespmem:$0x1D000] =	vst v63  }
0x86: {  	s28 =	sor.u32 $0x800, s30;
	_ =	swait.ge [sflag:s21], $0x4000  }
0x87: {  	s31 =	simm.s32 $0x1;
	s26 =	sadd.s32 $0x80, s13;
	[sflag:s21] =	ssyncset.done $0x0  }
0x88: {  	s25 =	simm.s32 $0x2;
	s24 =	sadd.s32 $0x80, s14;
	[sflag:s21] =	ssyncadd.s32 $0xFFFFC000  }
0x89: {  	[spmem:s1] =	stream.indirect.scatter.add.f32 [tilespmem:s19], [sflag:$0x4], $0x80, s28, s18, $0xb8;
	[tilespmem:$0x1D000] =	vst v63  }
0x8a: {  	s23 =	sand.u32 $0x1, s31;
	p0 =	por $0x0, $0x0;
	_ =	swait.ge [sflag:s16], $0x4000  }
0x8b: {  	s28 =	sxor.u32 $0x1, s23;
	s23 =	sshll.u32 s23, $0xA;
	[sflag:s16] =	ssyncset.done $0x0  }
.LBB2_4:
0x8c: {  	s29 =	sshll.u32 @!p0 s28, $0xA;
	s30 =	simm.s32 @!p0 $0x0;
	[sflag:s16] =	ssyncadd.s32 $0xFFFFC000  }
0x8d: {  	[tilespmem:s29], [sflag:$0x3] =	stream.linear.gather @!p0 [hbm4b:s26+s30], $0x400, $0x38;
	[tilespmem:$0x1D000] =	vst v63  }
0x8e: {  	s28 =	smov.u32 s25;
	s25 =	sadd.s32 $0x1, s25;
	s31 =	sor.u32 @!p0 $0x800, s29  }
0x8f: {  	[tilespmem:s31], [sflag:$0x3] =	stream.linear.gather @!p0 [hbm4b:s24+s30], $0x400, $0x38;
	[tilespmem:$0x1D000] =	vst v63  }
0x90: {  	p1 =	sne.s32 s25, $0xA;
	s30 =	sor.u32 $0x80, s23  }
0x91: {  	[tilespmem:s19], [sflag:$0x2] =	stream.indirect.gather [hbm4b:s4+s18], $0x80, s30, s18, $0xb8;
	[tilespmem:$0x1D000] =	vst v63  }
0x92: {  	_ =	swait.ge [sflag:s20], $0x4000  }
0x93: {  	[sflag:s20] =	ssyncset.done $0x0  }
0x94: {  	s30 =	sor.u32 $0x800, s23;
	[sflag:s20] =	ssyncadd.s32 $0xFFFFC000  }
0x95: {  	[spmem:s1] =	stream.indirect.scatter.add.f32 [tilespmem:s15], [sflag:$0x4], $0x80, s30, s18, $0xb8;
	[tilespmem:$0x1D000] =	vst v63  }
0x96: {  	_ =	swait.ge [sflag:s16], $0x4000  }
0x97: {  	[sflag:s16] =	ssyncset.done $0x0  }
0x98: {  	s30 =	sor.u32 $0x100, s23;
	[sflag:s16] =	ssyncadd.s32 $0xFFFFC000  }
0x99: {  	[tilespmem:s15], [sflag:$0x1] =	stream.indirect.gather [hbm4b:s4+s18], $0x80, s30, s18, $0xb8;
	[tilespmem:$0x1D000] =	vst v63  }
0x9a: {  	_ =	swait.ge [sflag:s21], $0x4000  }
0x9b: {  	[sflag:s21] =	ssyncset.done $0x0  }
0x9c: {  	s30 =	sor.u32 $0x880, s23;
	[sflag:s21] =	ssyncadd.s32 $0xFFFFC000  }
0x9d: {  	[spmem:s1] =	stream.indirect.scatter.add.f32 [tilespmem:s19], [sflag:$0x4], $0x80, s30, s18, $0xb8;
	[tilespmem:$0x1D000] =	vst v63  }
0x9e: {  	_ =	swait.ge [sflag:s16], $0x4000  }
0x9f: {  	[sflag:s16] =	ssyncset.done $0x0  }
0xa0: {  	s30 =	sor.u32 $0x180, s23;
	[sflag:s16] =	ssyncadd.s32 $0xFFFFC000  }
0xa1: {  	[tilespmem:s19], [sflag:$0x2] =	stream.indirect.gather [hbm4b:s4+s18], $0x80, s30, s18, $0xb8;
	[tilespmem:$0x1D000] =	vst v63  }
0xa2: {  	_ =	swait.ge [sflag:s20], $0x4000  }
0xa3: {  	[sflag:s20] =	ssyncset.done $0x0  }
0xa4: {  	s30 =	sor.u32 $0x900, s23;
	[sflag:s20] =	ssyncadd.s32 $0xFFFFC000  }
0xa5: {  	[spmem:s1] =	stream.indirect.scatter.add.f32 [tilespmem:s15], [sflag:$0x4], $0x80, s30, s18, $0xb8;
	[tilespmem:$0x1D000] =	vst v63  }
0xa6: {  	_ =	swait.ge [sflag:s16], $0x4000  }
0xa7: {  	[sflag:s16] =	ssyncset.done $0x0  }
0xa8: {  	s30 =	sor.u32 $0x200, s23;
	[sflag:s16] =	ssyncadd.s32 $0xFFFFC000  }
0xa9: {  	[tilespmem:s15], [sflag:$0x1] =	stream.indirect.gather [hbm4b:s4+s18], $0x80, s30, s18, $0xb8;
	[tilespmem:$0x1D000] =	vst v63  }
0xaa: {  	_ =	swait.ge [sflag:s21], $0x4000  }
0xab: {  	[sflag:s21] =	ssyncset.done $0x0  }
0xac: {  	s30 =	sor.u32 $0x980, s23;
	[sflag:s21] =	ssyncadd.s32 $0xFFFFC000  }
0xad: {  	[spmem:s1] =	stream.indirect.scatter.add.f32 [tilespmem:s19], [sflag:$0x4], $0x80, s30, s18, $0xb8;
	[tilespmem:$0x1D000] =	vst v63  }
0xae: {  	_ =	swait.ge [sflag:s16], $0x4000  }
0xaf: {  	[sflag:s16] =	ssyncset.done $0x0  }
0xb0: {  	s30 =	sor.u32 $0x280, s23;
	[sflag:s16] =	ssyncadd.s32 $0xFFFFC000  }
0xb1: {  	[tilespmem:s19], [sflag:$0x2] =	stream.indirect.gather [hbm4b:s4+s18], $0x80, s30, s18, $0xb8;
	[tilespmem:$0x1D000] =	vst v63  }
0xb2: {  	_ =	swait.ge [sflag:s20], $0x4000  }
0xb3: {  	[sflag:s20] =	ssyncset.done $0x0  }
0xb4: {  	s30 =	sor.u32 $0xA00, s23;
	[sflag:s20] =	ssyncadd.s32 $0xFFFFC000  }
0xb5: {  	[spmem:s1] =	stream.indirect.scatter.add.f32 [tilespmem:s15], [sflag:$0x4], $0x80, s30, s18, $0xb8;
	[tilespmem:$0x1D000] =	vst v63  }
0xb6: {  	_ =	swait.ge [sflag:s16], $0x4000  }
0xb7: {  	[sflag:s16] =	ssyncset.done $0x0  }
0xb8: {  	s30 =	sor.u32 $0x300, s23;
	[sflag:s16] =	ssyncadd.s32 $0xFFFFC000  }
0xb9: {  	[tilespmem:s15], [sflag:$0x1] =	stream.indirect.gather [hbm4b:s4+s18], $0x80, s30, s18, $0xb8;
	[tilespmem:$0x1D000] =	vst v63  }
0xba: {  	_ =	swait.ge [sflag:s21], $0x4000  }
0xbb: {  	[sflag:s21] =	ssyncset.done $0x0  }
0xbc: {  	s30 =	sor.u32 $0xA80, s23;
	[sflag:s21] =	ssyncadd.s32 $0xFFFFC000  }
0xbd: {  	[spmem:s1] =	stream.indirect.scatter.add.f32 [tilespmem:s19], [sflag:$0x4], $0x80, s30, s18, $0xb8;
	[tilespmem:$0x1D000] =	vst v63  }
0xbe: {  	_ =	swait.ge [sflag:s16], $0x4000  }
0xbf: {  	[sflag:s16] =	ssyncset.done $0x0  }
0xc0: {  	s30 =	sor.u32 $0x380, s23;
	[sflag:s16] =	ssyncadd.s32 $0xFFFFC000  }
0xc1: {  	[tilespmem:s19], [sflag:$0x2] =	stream.indirect.gather [hbm4b:s4+s18], $0x80, s30, s18, $0xb8;
	[tilespmem:$0x1D000] =	vst v63  }
0xc2: {  	_ =	swait.ge [sflag:s20], $0x4000  }
0xc3: {  	[sflag:s20] =	ssyncset.done $0x0  }
0xc4: {  	s23 =	sor.u32 $0xB00, s23;
	[sflag:s20] =	ssyncadd.s32 $0xFFFFC000  }
0xc5: {  	[spmem:s1] =	stream.indirect.scatter.add.f32 [tilespmem:s15], [sflag:$0x4], $0x80, s23, s18, $0xb8;
	[tilespmem:$0x1D000] =	vst v63  }
0xc6: {  	_ =	swait.ge [sflag:s16], $0x4000  }
0xc7: {  	[sflag:s16] =	ssyncset.done $0x0  }
0xc8: {  	s23 =	simm.s32 @!p0 $0x3;
	[sflag:s16] =	ssyncadd.s32 $0xFFFFC000  }
0xc9: {  	_ =	swait.ge @!p0 [sflag:s23], $0x400  }
0xca: {  	[sflag:s23] =	ssyncset.done @!p0 $0x0  }
0xcb: {  	[sflag:s23] =	ssyncadd.s32 @!p0 $0xFFFFFC00  }
0xcc: {  	_ =	swait.ge @!p0 [sflag:s23], $0x400  }
0xcd: {  	[sflag:s23] =	ssyncset.done @!p0 $0x0  }
0xce: {  	s31 =	simm.s32 @!p0 $0x1000;
	[sflag:s23] =	ssyncadd.s32 @!p0 $0xFFFFFC00;
	s23 =	simm.s32 @!p0 $0x80  }
0xcf: {  	[tilespmem:s31], [sflag:$0x1] =	stream.indirect.gather @!p0 [hbm4b:s4+s23], $0x80, s29, s23, $0xb8;
	[tilespmem:$0x1D000] =	vst v63  }
0xd0: {  	_ =	swait.ge [sflag:s21], $0x4000  }
.Ltmp1:
0xd1: {  	s24 =	sadd.s32 $0x80, s24;
	[sflag:s21] =	ssyncset.done $0x0;
	(pc) =	sbr.rel @p1 .LBB2_4-.Ltmp1, $4  }
0xd2: {  	s26 =	sadd.s32 $0x80, s26;
	s23 =	sor.u32 $0x800, s30;
	[sflag:s21] =	ssyncadd.s32 $0xFFFFC000  }
0xd3: {  	[spmem:s1] =	stream.indirect.scatter.add.f32 [tilespmem:s19], [sflag:$0x4], $0x80, s23, s18, $0xb8;
	[tilespmem:$0x1D000] =	vst v63  }
0xd4: {  	p0 =	seq.s32 s28, $0x9;
	s23 =	sand.u32 $0x1, s28;
	_ =	swait.ge [sflag:s16], $0x4000  }
0xd5: {  	s28 =	sxor.u32 $0x1, s23;
	s23 =	sshll.u32 s23, $0xA;
	[sflag:s16] =	ssyncset.done $0x0  }
0xd6: {  	s25 =	sshll.u32 @!p0 s28, $0xA;
	s28 =	simm.s32 @!p0 $0x0;
	[sflag:s16] =	ssyncadd.s32 $0xFFFFC000  }
0xd7: {  	[tilespmem:s25], [sflag:$0x3] =	stream.linear.gather @!p0 [hbm4b:s26+s28], $0x400, $0x38;
	[tilespmem:$0x1D000] =	vst v63  }
0xd8: {  	s26 =	sor.u32 @!p0 $0x800, s25  }
0xd9: {  	[tilespmem:s26], [sflag:$0x3] =	stream.linear.gather @!p0 [hbm4b:s24+s28], $0x400, $0x38;
	[tilespmem:$0x1D000] =	vst v63  }
0xda: {  	s29 =	sor.u32 $0x80, s23  }
0xdb: {  	[tilespmem:s19], [sflag:$0x2] =	stream.indirect.gather [hbm4b:s4+s18], $0x80, s29, s18, $0xb8;
	[tilespmem:$0x1D000] =	vst v63  }
0xdc: {  	_ =	swait.ge [sflag:s20], $0x4000  }
0xdd: {  	[sflag:s20] =	ssyncset.done $0x0  }
0xde: {  	s30 =	sor.u32 $0x800, s23;
	[sflag:s20] =	ssyncadd.s32 $0xFFFFC000  }
0xdf: {  	[spmem:s1] =	stream.indirect.scatter.add.f32 [tilespmem:s15], [sflag:$0x4], $0x80, s30, s18, $0xb8;
	[tilespmem:$0x1D000] =	vst v63  }
0xe0: {  	_ =	swait.ge [sflag:s16], $0x4000  }
0xe1: {  	[sflag:s16] =	ssyncset.done $0x0  }
0xe2: {  	s31 =	sor.u32 $0x100, s23;
	[sflag:s16] =	ssyncadd.s32 $0xFFFFC000  }
0xe3: {  	[tilespmem:s15], [sflag:$0x1] =	stream.indirect.gather [hbm4b:s4+s18], $0x80, s31, s18, $0xb8;
	[tilespmem:$0x1D000] =	vst v63  }
0xe4: {  	_ =	swait.ge [sflag:s21], $0x4000  }
0xe5: {  	[sflag:s21] =	ssyncset.done $0x0  }
0xe6: {  	s26 =	sor.u32 $0x880, s23;
	[sflag:s21] =	ssyncadd.s32 $0xFFFFC000  }
0xe7: {  	[spmem:s1] =	stream.indirect.scatter.add.f32 [tilespmem:s19], [sflag:$0x4], $0x80, s26, s18, $0xb8;
	[tilespmem:$0x1D000] =	vst v63  }
0xe8: {  	_ =	swait.ge [sflag:s16], $0x4000  }
0xe9: {  	[sflag:s16] =	ssyncset.done $0x0  }
0xea: {  	s28 =	sor.u32 $0x180, s23;
	[sflag:s16] =	ssyncadd.s32 $0xFFFFC000  }
0xeb: {  	[tilespmem:s19], [sflag:$0x2] =	stream.indirect.gather [hbm4b:s4+s18], $0x80, s28, s18, $0xb8;
	[tilespmem:$0x1D000] =	vst v63  }
0xec: {  	_ =	swait.ge [sflag:s20], $0x4000  }
0xed: {  	[sflag:s20] =	ssyncset.done $0x0  }
0xee: {  	s29 =	sor.u32 $0x900, s23;
	[sflag:s20] =	ssyncadd.s32 $0xFFFFC000  }
0xef: {  	[spmem:s1] =	stream.indirect.scatter.add.f32 [tilespmem:s15], [sflag:$0x4], $0x80, s29, s18, $0xb8;
	[tilespmem:$0x1D000] =	vst v63  }
0xf0: {  	_ =	swait.ge [sflag:s16], $0x4000  }
0xf1: {  	[sflag:s16] =	ssyncset.done $0x0  }
0xf2: {  	s30 =	sor.u32 $0x200, s23;
	[sflag:s16] =	ssyncadd.s32 $0xFFFFC000  }
0xf3: {  	[tilespmem:s15], [sflag:$0x1] =	stream.indirect.gather [hbm4b:s4+s18], $0x80, s30, s18, $0xb8;
	[tilespmem:$0x1D000] =	vst v63  }
0xf4: {  	_ =	swait.ge [sflag:s21], $0x4000  }
0xf5: {  	[sflag:s21] =	ssyncset.done $0x0  }
0xf6: {  	s31 =	sor.u32 $0x980, s23;
	[sflag:s21] =	ssyncadd.s32 $0xFFFFC000  }
0xf7: {  	[spmem:s1] =	stream.indirect.scatter.add.f32 [tilespmem:s19], [sflag:$0x4], $0x80, s31, s18, $0xb8;
	[tilespmem:$0x1D000] =	vst v63  }
0xf8: {  	_ =	swait.ge [sflag:s16], $0x4000  }
0xf9: {  	[sflag:s16] =	ssyncset.done $0x0  }
0xfa: {  	s26 =	sor.u32 $0x280, s23;
	[sflag:s16] =	ssyncadd.s32 $0xFFFFC000  }
0xfb: {  	[tilespmem:s19], [sflag:$0x2] =	stream.indirect.gather [hbm4b:s4+s18], $0x80, s26, s18, $0xb8;
	[tilespmem:$0x1D000] =	vst v63  }
0xfc: {  	_ =	swait.ge [sflag:s20], $0x4000  }
0xfd: {  	[sflag:s20] =	ssyncset.done $0x0  }
0xfe: {  	s28 =	sor.u32 $0xA00, s23;
	[sflag:s20] =	ssyncadd.s32 $0xFFFFC000  }
0xff: {  	[spmem:s1] =	stream.indirect.scatter.add.f32 [tilespmem:s15], [sflag:$0x4], $0x80, s28, s18, $0xb8;
	[tilespmem:$0x1D000] =	vst v63  }
0x100: {  	_ =	swait.ge [sflag:s16], $0x4000  }
0x101: {  	[sflag:s16] =	ssyncset.done $0x0  }
0x102: {  	s29 =	sor.u32 $0x300, s23;
	[sflag:s16] =	ssyncadd.s32 $0xFFFFC000  }
0x103: {  	[tilespmem:s15], [sflag:$0x1] =	stream.indirect.gather [hbm4b:s4+s18], $0x80, s29, s18, $0xb8;
	[tilespmem:$0x1D000] =	vst v63  }
0x104: {  	_ =	swait.ge [sflag:s21], $0x4000  }
0x105: {  	[sflag:s21] =	ssyncset.done $0x0  }
0x106: {  	s30 =	sor.u32 $0xA80, s23;
	[sflag:s21] =	ssyncadd.s32 $0xFFFFC000  }
0x107: {  	[spmem:s1] =	stream.indirect.scatter.add.f32 [tilespmem:s19], [sflag:$0x4], $0x80, s30, s18, $0xb8;
	[tilespmem:$0x1D000] =	vst v63  }
0x108: {  	_ =	swait.ge [sflag:s16], $0x4000  }
0x109: {  	[sflag:s16] =	ssyncset.done $0x0  }
0x10a: {  	s31 =	sor.u32 $0x380, s23;
	[sflag:s16] =	ssyncadd.s32 $0xFFFFC000  }
0x10b: {  	[tilespmem:s19], [sflag:$0x2] =	stream.indirect.gather [hbm4b:s4+s18], $0x80, s31, s18, $0xb8;
	[tilespmem:$0x1D000] =	vst v63  }
0x10c: {  	_ =	swait.ge [sflag:s20], $0x4000  }
0x10d: {  	[sflag:s20] =	ssyncset.done $0x0  }
0x10e: {  	s28 =	sor.u32 $0xB00, s23;
	[sflag:s20] =	ssyncadd.s32 $0xFFFFC000  }
0x10f: {  	[spmem:s1] =	stream.indirect.scatter.add.f32 [tilespmem:s15], [sflag:$0x4], $0x80, s28, s18, $0xb8;
	[tilespmem:$0x1D000] =	vst v63  }
0x110: {  	_ =	swait.ge [sflag:s16], $0x4000  }
0x111: {  	[sflag:s16] =	ssyncset.done $0x0  }
0x112: {  	s23 =	simm.s32 @!p0 $0x3;
	[sflag:s16] =	ssyncadd.s32 $0xFFFFC000  }
0x113: {  	_ =	swait.ge @!p0 [sflag:s23], $0x400  }
0x114: {  	[sflag:s23] =	ssyncset.done @!p0 $0x0  }
0x115: {  	[sflag:s23] =	ssyncadd.s32 @!p0 $0xFFFFFC00  }
0x116: {  	_ =	swait.ge @!p0 [sflag:s23], $0x400  }
0x117: {  	[sflag:s23] =	ssyncset.done @!p0 $0x0  }
0x118: {  	s26 =	simm.s32 @!p0 $0x1000;
	[sflag:s23] =	ssyncadd.s32 @!p0 $0xFFFFFC00;
	s23 =	simm.s32 @!p0 $0x80  }
0x119: {  	[tilespmem:s26], [sflag:$0x1] =	stream.indirect.gather @!p0 [hbm4b:s4+s23], $0x80, s25, s23, $0xb8;
	[tilespmem:$0x1D000] =	vst v63  }
0x11a: {  	_ =	swait.ge [sflag:s21], $0x4000  }
0x11b: {  	[sflag:s21] =	ssyncset.done $0x0  }
0x11c: {  	s29 =	sor.u32 $0x800, s31;
	[sflag:s21] =	ssyncadd.s32 $0xFFFFC000  }
0x11d: {  	[spmem:s1] =	stream.indirect.scatter.add.f32 [tilespmem:s19], [sflag:$0x4], $0x80, s29, s18, $0xb8;
	[tilespmem:$0x1D000] =	vst v63  }
0x11e: {  	_ =	swait.ge [sflag:s16], $0x4000  }
0x11f: {  	s2 =	sadd.s32 $0x1, s2;
	s30 =	sshll.u32 s3, $0x6;
	[sflag:s16] =	ssyncset.done $0x0  }
0x120: {  	s31 =	sshrl.u32 s5, $0x3;
	p0 =	sne.s32 s2, s8;
	[sflag:s16] =	ssyncadd.s32 $0xFFFFC000  }
.Ltmp2:
0x121: {  	s23 =	sor.u32 $0x1C04, s30;
	[bflag:$0x0] =	sbarrier.arrive $0xFFFF;
	(pc) =	sbr.rel @p0 .LBB2_1-.Ltmp2, $4  }
0x122: {  	[hbm:s22], [sflag:s23] =	dma.local [spmem:s31], $0x2800  }
0x123: {  	_ =	swait.ge [sflag:s16], $0x2800  }
0x124: {  	[sflag:s16] =	ssyncset.done $0x0  }
0x125: {  	[sflag:s16] =	ssyncadd.s32 $0xFFFFD800  }
0x126: {  	_ =	sfence.sel $0x180000  }
0x127: {  	[bflag:$0x0] =	sbarrier.arrive $0xFFFF  }
0x128: {  	p0 =	sne.s32 s3, $0x0;
	_ =	strace $0x9000004A  }
0x129: {  	s0 =	sadd.s32 @!p0 $0x100000, s0;
	[bflag:$0x2] =	sbarrier.arrive $0xFFFF  }
0x12a: {  	[sflag:s0] =	ssyncadd.tile.s32 @!p0 $0x1;
	_ =	shalt  }
.Lfunc_end2:
_tile_overlayer_lowered:
.L_overlay_start_2:
0x12b: {  	(tag) =	ssettag $0x2  }
0x12c: {  	s0 =	rddreg [dreg:$0x0];
	s2 =	stileid.u32  }
0x12d: {  	s1 =	rddreg [dreg:$0x1];
	p0 =	sne.s32 s2, $0x0  }
0x12e: {  	s3 =	rddreg [dreg:$0x2];
	[bflag:$0x3] =	sbarrier.arrive $0xFFFF;
	s2 =	simm.s32 @!p0 $0x1C04  }
0x12f: {  	[timem:s3], [sflag:s2] =	dma.local @!p0 [hbm:s0], s1  }
0x130: {  	s0 =	simm.s32 @!p0 $0x4  }
0x131: {  	_ =	swait.ge @!p0 [sflag:s0], s1  }
0x132: {  	s1 =	ssub.s32 @!p0 $0x0, s1;
	[sflag:s0] =	ssyncset.done @!p0 $0x0  }
0x133: {  	[sflag:s0] =	ssyncadd.s32 @!p0 s1  }
0x134: {  	[bflag:$0x3] =	sbarrier.arrive $0xFFFF  }
0x135: {  	_ =	shalt  }

// kernel: kernel.7.cloned.1.call-start
scs
__scs_entry_jumppad:
0x0: {  	(pc) =	sbr.rel $0x88, $3  }
0x1: {  	(tag) =	ssettag $0x0;
	lr =	simm.s32 $0x1  }
0x2: {  	[smem:$0x3F9D] =	sst lr;
	_ =	strace $0xD0000000  }
0x3: {  	_ = 	snop  }
0x4: {  	_ = 	snop  }
0x5: {  	_ = 	snop  }
0x6: {  	_ = 	snop  }
0x7: {  	_ = 	snop  }
__scs_overlays_trampoline_lowered:
0x8: {  	[smem:$0x3FAC] =	sst s0  }
0x9: {  	[smem:$0x3FAD] =	sst s1  }
0xa: {  	[smem:$0x3FAE] =	sst s2  }
0xb: {  	[smem:$0x3FAF] =	sst s3  }
0xc: {  	[smem:$0x3FB0] =	sst s4  }
0xd: {  	[smem:$0x3FB1] =	sst s5  }
0xe: {  	[smem:$0x3FB2] =	sst s6  }
0xf: {  	[smem:$0x3FB3] =	sst s7  }
0x10: {  	[smem:$0x3FB4] =	sst s8  }
0x11: {  	[smem:$0x3FB5] =	sst s9;
	s0 =	simm.s32 @!p0 $0x0  }
0x12: {  	s1 =	sld [smem:$0x3F9B];
	s0 =	simm.s32 @p0 $0x1  }
0x13: {  	[smem:$0x3FB6] =	sst s0;
	s0 =	simm.s32 @!p1 $0x0  }
0x14: {  	s2 =	sld [smem:$0x3F9A];
	s0 =	simm.s32 @p1 $0x1  }
0x15: {  	[smem:$0x3FB7] =	sst s0;
	s0 =	simm.s32 @!p2 $0x0  }
0x16: {  	s3 =	sld [smem:$0x3FDB];
	s0 =	simm.s32 @p2 $0x1  }
0x17: {  	s4 =	simm.s32 $0x1BF5;
	[smem:$0x3FB9] =	sst s0  }
0x18: {  	s0 =	sld [smem:$0x3F9C];
	_ =	swait.ge [sflag:s4], $0x0  }
0x19: {  	s7 =	sld [smem:$0x3F9D]  }
0x1a: {  	s8 =	sadd.s32 $0xFFFFE003, lr  }
0x1b: {  	s9 =	sadd.s32 $0xFFFFFEF7, lr;
	s5 =	simm.s32 $0xFFFFFFFF;
	p2 =	slt.u32 s8, $0xFFFFF086  }
0x1c: {  	p1 =	slt.u32 s9, $0xF7A;
	s5 =	simm.s32 @!p2 $0x0  }
0x1d: {  	s5 =	simm.s32 @p1 $0x1;
	p0 =	seq.s32 s7, s2  }
0x1e: {  	s7 =	smul.u32 @!p0 $0xF7A, s2;
	p2 =	seq.s32 @!p0 s5, $0x0  }
0x1f: {  	s9 =	smul.u32 $0xF7A, s1;
	s8 =	simm.s32 @!p0 $0x1BF5;
	p2 =	por !p2, p0  }
0x20: {  	[sflag:s8] =	ssyncset.s32 @!p0 $0xFFFFF086;
	s6 =	sadd.s32 @!p0 s3, s7;
	s7 =	simm.s32 @!p0 $0x108  }
0x21: {  	s3 =	sadd.s32 s3, s9;
	s6 =	sadd.s32 @!p0 $0x88, s6;
	s7 =	simm.s32 @p2 $0x1082  }
0x22: {  	[simem:s7], [sflag:s8] =	dma.local @!p0 [hbm:s6], $0xF7A  }
0x23: {  	s9 =	sor.u32 $0xD0000000, s2;
	s6 =	simm.s32 $0x108;
	_ =	swait.ge @!p0 [sflag:s8], $0x0  }
0x24: {  	s3 =	sadd.s32 $0x88, s3;
	s6 =	simm.s32 @!p1 $0x1082;
	[sflag:s4] =	ssyncset.s32 $0xFFFFF086  }
0x25: {  	[simem:s6], [sflag:s4] =	dma.local [hbm:s3], $0xF7A  }
0x26: {  	[smem:$0x3F9D] =	sst s1;
	(tag) =	ssettag s2;
	_ =	strace s9  }
0x27: {  	s1 =	sld [smem:$0x3FAD]  }
0x28: {  	s2 =	sld [smem:$0x3FAE]  }
0x29: {  	s4 =	sld [smem:$0x3FB0]  }
0x2a: {  	p0 =	seq.s32 s5, $0x0;
	s5 =	sld [smem:$0x3FB1]  }
0x2b: {  	s6 =	sld [smem:$0x3FB2]  }
0x2c: {  	s7 =	sld [smem:$0x3FB3]  }
0x2d: {  	s3 =	simm.s32 $0x108;
	s8 =	sld [smem:$0x3FB4]  }
0x2e: {  	s3 =	simm.s32 @!p0 $0x1082;
	s9 =	sld [smem:$0x3FB5]  }
0x2f: {  	lr =	sadd.s32 s0, s3;
	s0 =	sld [smem:$0x3FAC]  }
0x30: {  	s3 =	sld [smem:$0x3FAF]  }
0x31: {  	[smem:$0x3FB8] =	sst s10  }
0x32: {  	s10 =	sld [smem:$0x3FB6];
	_ =	sdelay $0x3  }
0x33: {  	p0 =	seq.s32 s10, $0x1;
	s10 =	sld [smem:$0x3FB8];
	_ =	sdelay $0x3  }
0x34: {  	[smem:$0x3FB8] =	sst s10  }
0x35: {  	s10 =	sld [smem:$0x3FB7];
	_ =	sdelay $0x3  }
0x36: {  	p1 =	seq.s32 s10, $0x1;
	s10 =	sld [smem:$0x3FB8];
	_ =	sdelay $0x3  }
0x37: {  	[smem:$0x3FB8] =	sst s10  }
0x38: {  	s10 =	sld [smem:$0x3FB9]  }
0x39: {  	_ = 	snop;
	(pc) =	sbr.ind lr, $3  }
0x3a: {  	_ = 	snop  }
0x3b: {  	_ = 	snop  }
0x3c: {  	p2 =	seq.s32 s10, $0x1;
	s10 =	sld [smem:$0x3FB8]  }
0x3d: {  	_ =	shalt  }
0x3e: {  	_ =	shalt  }
0x3f: {  	_ =	shalt  }
0x40: {  	_ =	shalt  }
0x41: {  	_ =	shalt  }
0x42: {  	_ =	shalt  }
0x43: {  	_ =	shalt  }
0x44: {  	_ =	shalt  }
0x45: {  	_ =	shalt  }
0x46: {  	_ =	shalt  }
0x47: {  	_ =	shalt  }
0x48: {  	_ =	shalt  }
0x49: {  	_ =	shalt  }
0x4a: {  	_ =	shalt  }
0x4b: {  	_ =	shalt  }
0x4c: {  	_ =	shalt  }
0x4d: {  	_ =	shalt  }
0x4e: {  	_ =	shalt  }
0x4f: {  	_ =	shalt  }
0x50: {  	_ =	shalt  }
0x51: {  	_ =	shalt  }
0x52: {  	_ =	shalt  }
0x53: {  	_ =	shalt  }
0x54: {  	_ =	shalt  }
0x55: {  	_ =	shalt  }
0x56: {  	_ =	shalt  }
0x57: {  	_ =	shalt  }
0x58: {  	_ =	shalt  }
0x59: {  	_ =	shalt  }
0x5a: {  	_ =	shalt  }
0x5b: {  	_ =	shalt  }
0x5c: {  	_ =	shalt  }
0x5d: {  	_ =	shalt  }
0x5e: {  	_ =	shalt  }
0x5f: {  	_ =	shalt  }
0x60: {  	_ =	shalt  }
0x61: {  	_ =	shalt  }
0x62: {  	_ =	shalt  }
0x63: {  	_ =	shalt  }
0x64: {  	_ =	shalt  }
0x65: {  	_ =	shalt  }
0x66: {  	_ =	shalt  }
0x67: {  	_ =	shalt  }
0x68: {  	_ =	shalt  }
0x69: {  	_ =	shalt  }
0x6a: {  	_ =	shalt  }
0x6b: {  	_ =	shalt  }
0x6c: {  	_ =	shalt  }
0x6d: {  	_ =	shalt  }
0x6e: {  	_ =	shalt  }
0x6f: {  	_ =	shalt  }
0x70: {  	_ =	shalt  }
0x71: {  	_ =	shalt  }
0x72: {  	_ =	shalt  }
0x73: {  	_ =	shalt  }
0x74: {  	_ =	shalt  }
0x75: {  	_ =	shalt  }
0x76: {  	_ =	shalt  }
0x77: {  	_ =	shalt  }
0x78: {  	_ =	shalt  }
0x79: {  	_ =	shalt  }
0x7a: {  	_ =	shalt  }
0x7b: {  	_ =	shalt  }
0x7c: {  	_ =	shalt  }
0x7d: {  	_ =	shalt  }
0x7e: {  	_ =	shalt  }
0x7f: {  	_ =	shalt  }
0x80: {  	_ =	shalt  }
0x81: {  	_ =	shalt  }
0x82: {  	_ =	shalt  }
0x83: {  	_ =	shalt  }
0x84: {  	_ =	shalt  }
0x85: {  	_ =	shalt  }
0x86: {  	_ =	shalt  }
0x87: {  	_ =	shalt  }
.Lfunc_end0:
.L_simem_size_0:
called_computation_lowered:
.L_overlay_start_0:
0x88: {  	s2 =	sld [smem:$0x3FD9]  }
0x89: {  	s3 =	sld [smem:$0x3FFE];
	_ =	sdelay $0x1  }
0x8a: {  	s1 =	srdreg.scid  }
0x8b: {  	s0 =	sand.u32 $0x1, s1  }
0x8c: {  	s17 =	sshll.u32 s0, $0xA;
	s2 =	sadd.s32 s3, s2  }
0x8d: {  	s2 =	sadd.s32 s2, s17  }
0x8e: {  	[smem:$0x3FC4] =	sst s2  }
0x8f: {  	_ = 	snop  }
0x90: {  	s2 =	sld [smem:$0x3FD0];
	(tm) =	ssettm $0x1  }
0x91: {  	s18 =	sld [smem:$0x3FFB];
	_ =	sdelay $0x3  }
0x92: {  	_ =	strace s18  }
0x93: {  	s3 =	sld [smem:$0x3FFC];
	_ =	sdelay $0x3  }
0x94: {  	_ =	strace s3  }
0x95: {  	s3 =	sld [smem:$0x3FFD];
	_ =	sdelay $0x3  }
0x96: {  	_ =	strace s3  }
0x97: {  	_ =	strace $0x8FFFFFFF  }
0x98: {  	s19 =	sld [smem:$0x3FDB];
	_ =	sdelay $0x1  }
0x99: {  	s4 =	simm.s32 $_scs_section_size  }
0x9a: {  	s5 =	simm.s32 $_size__tile_overlayer_lowered;
	s6 =	simm.s32 $_tile_overlayer_lowered  }
0x9b: {  	s22 =	simm.s32 $0x1BFF;
	s21 =	sshll.u32 s6, $0x1;
	s3 =	sadd.s32 s4, s19  }
0x9c: {  	s7 =	simm.s32 $0x0;
	s20 =	sshll.u32 s5, $0x1;
	s5 =	sadd.s32 s21, s3  }
0x9d: {  	[timem:s7], [sflag:s22] =	dma.local [hbm:s5], s20  }
0x9e: {  	_ =	swait.ge [sflag:s22], s20  }
0x9f: {  	s4 =	ssub.s32 $0x0, s20;
	[sflag:s22] =	ssyncset.done $0x0  }
0xa0: {  	[sflag:s22] =	ssyncadd.s32 s4;
	_ =	sdelay $0x1  }
0xa1: {  	s23 =	simm.s32 $0x1B8B  }
0xa2: {  	_ =	swait.ge [sflag:s23], $0x1  }
0xa3: {  	[sflag:s23] =	ssyncset.done $0x0  }
0xa4: {  	s25 =	simm.s32 $0x1B8E;
	s24 =	sld [smem:$0x3FFE];
	[sflag:s23] =	ssyncadd.s32 $0xFFFFFFFF  }
0xa5: {  	s26 =	simm.s32 $execute0_lowered;
	[smem:$0x3FD2] =	sst s25  }
0xa6: {  	s5 =	sshll.u32 s26, $0x1;
	_ =	strace $0x80000046;
	[dreg:$0x1] =	wrdreg $0xFFFFFFFF  }
0xa7: {  	s28 =	simm.s32 $_size_execute0_lowered;
	s3 =	sadd.s32 s3, s5;
	[dreg:$0x0] =	wrdreg $0x0  }
0xa8: {  	s5 =	sshll.u32 s28, $0x1;
	[dreg:$0x2] =	wrdreg s3  }
0xa9: {  	[dreg:$0x3] =	wrdreg s5  }
0xaa: {  	[dreg:$0x4] =	wrdreg $0xC0  }
0xab: {  	_ =	task [dreg:s7], $0x5FFFF  }
0xac: {  	[dreg:$0x1] =	wrdreg $0xFFFFFFFF  }
0xad: {  	[dreg:$0x0] =	wrdreg $0x60  }
0xae: {  	[dreg:$0x2] =	wrdreg s2  }
0xaf: {  	[dreg:$0x3] =	wrdreg s24  }
0xb0: {  	[dreg:$0x4] =	wrdreg $0x2B000  }
0xb1: {  	[dreg:$0x5] =	wrdreg $0x9  }
0xb2: {  	_ =	task.clear_ibuf [dreg:s7], $0x6FFFF;
	_ =	strace $0x90000046  }
0xb3: {  	s29 =	simm.s32 $0x9;
	_ =	strace $0x80000048  }
0xb4: {  	_ =	swait.ge [sflag:s29], $0x1  }
0xb5: {  	[sflag:s29] =	ssyncadd.s32 $0xFFFFFFFF  }
0xb6: {  	_ =	strace $0x90000048  }
0xb7: {  	_ =	sfence  }
0xb8: {  	s30 =	sld [smem:$0x0];
	_ =	sdelay $0x2  }
0xb9: {  	s31 =	sshll.u32 s1, $0xD;
	s1 =	sshrl.u32 s1, $0x2  }
0xba: {  	s3 =	sand.u32 $0x4000, s31;
	s1 =	sadd.s32 s1, s30  }
0xbb: {  	s0 =	sor.u32 s3, s0;
	s1 =	sshll.u32 s1, $0x11  }
0xbc: {  	s0 =	sor.u32 s1, s0  }
0xbd: {  	s0 =	sadd.s32 $0x8F2B, s0  }
0xbe: {  	[sflag:s0] =	ssyncadd.remote.s32 $0x1  }
0xbf: {  	_ =	sfence.sel $0xFFFF  }
0xc0: {  	[dreg:$0x0] =	wrdreg $0xFFFFFFFF;
	(pc) =	sbr.abs _section_cstart, $3  }
0xc1: {  	[dreg:$0x1] =	wrdreg $0xFFFFFFFF  }
0xc2: {  	_ =	task.clear_ibuf [dreg:s7], $0x2FFFF;
	_ =	strace $0x9FFFFFFF  }
0xc3: {  	(tm) =	ssettm $0x7FFFFFFF  }
tec
execute0_lowered:
.L_overlay_start_1:
0x0: {  	(tag) =	ssettag $0x1  }
0x1: {  	s5 =	rddreg [dreg:$0x0]  }
0x2: {  	s4 =	rddreg [dreg:$0x1];
	s1 =	srdreg.scid  }
0x3: {  	s0 =	stileid.u32;
	s2 =	rddreg [dreg:$0x2];
	s3 =	simm.s32 $0x0  }
0x4: {  	s11 =	simm.s32 $0x2800;
	s6 =	sand.u32 $0x1, s1;
	s1 =	rddreg [dreg:$0x3]  }
0x5: {  	s14 =	simm.s32 $0x0;
	s7 =	smul.u32 $0x280, s0;
	[smem:$0x7FF] =	sst s3  }
0x6: {  	s12 =	sshll.u32 s0, $0x6;
	s8 =	smul.u32 $0x2800, s6;
	s9 =	sshll.u32 s6, $0x4  }
0x7: {  	s6 =	ssub.s32 $0x2, s6;
	_ =	strace $0x80000047;
	s9 =	sor.u32 s0, s9  }
0x8: {  	s10 =	sshrl.u32 s6, $0x1;
	s8 =	sadd.s32 s7, s8;
	s9 =	smul.u32 $0x500, s9  }
0x9: {  	s12 =	sor.u32 $0x1C01, s12;
	s10 =	ssub.s32 s6, s10;
	s8 =	sshrl.u32 s8, $0x3  }
0xa: {  	s8 =	sadd.s32 s8, s4;
	s4 =	sadd.s32 s7, s2;
	s5 =	sadd.s32 s5, s9  }
0xb: {  	s7 =	smax.u32 s10, $0x1;
	s9 =	simm.s32 $0x1;
	s10 =	simm.s32 $0x80  }
0xc: {  	v0 =	vimm.f32 $1.000000000e+00;
	v1 =	vimm.f32 $0.0e+00;
	s6 =	sadd.s32 $0x1400, s8;
	s8 =	simm.s32 $0x2880;
	s13 =	sshrl.u32 s4, $0x3  }
.LBB2_1:
0xd: {  	[tilespmem:$0x2800] =	vst v0  }
0xe: {  	[tilespmem:$0x2810] =	vst v0  }
0xf: {  	[tilespmem:$0x2820] =	vst v0  }
0x10: {  	[tilespmem:$0x2830] =	vst v0  }
0x11: {  	[tilespmem:$0x2840] =	vst v0  }
0x12: {  	[tilespmem:$0x2850] =	vst v0  }
0x13: {  	[tilespmem:$0x2860] =	vst v0  }
0x14: {  	[tilespmem:$0x2870] =	vst v0  }
0x15: {  	[tilespmem:$0x2880] =	vst v1  }
0x16: {  	[tilespmem:$0x2890] =	vst v1  }
0x17: {  	[tilespmem:$0x28A0] =	vst v1  }
0x18: {  	[tilespmem:$0x28B0] =	vst v1  }
0x19: {  	[tilespmem:$0x28C0] =	vst v1  }
0x1a: {  	[tilespmem:$0x28D0] =	vst v1  }
0x1b: {  	[tilespmem:$0x28E0] =	vst v1  }
0x1c: {  	[tilespmem:$0x28F0] =	vst v1  }
0x1d: {  	[tilespmem:$0x2900] =	vst v1  }
0x1e: {  	[tilespmem:$0x2910] =	vst v1  }
0x1f: {  	[tilespmem:$0x2920] =	vst v1  }
0x20: {  	[tilespmem:$0x2930] =	vst v1  }
0x21: {  	[tilespmem:$0x2940] =	vst v1  }
0x22: {  	[tilespmem:$0x2950] =	vst v1  }
0x23: {  	[tilespmem:$0x2960] =	vst v1  }
0x24: {  	[tilespmem:$0x2970] =	vst v1  }
0x25: {  	[tilespmem:$0x2980] =	vst v1  }
0x26: {  	[tilespmem:$0x2990] =	vst v1  }
0x27: {  	[tilespmem:$0x29A0] =	vst v1  }
0x28: {  	[tilespmem:$0x29B0] =	vst v1  }
0x29: {  	[tilespmem:$0x29C0] =	vst v1  }
0x2a: {  	[tilespmem:$0x29D0] =	vst v1  }
0x2b: {  	[tilespmem:$0x29E0] =	vst v1  }
0x2c: {  	[tilespmem:$0x29F0] =	vst v1  }
0x2d: {  	[tilespmem:$0x2A00] =	vst v1  }
0x2e: {  	[tilespmem:$0x2A10] =	vst v1  }
0x2f: {  	[tilespmem:$0x2A20] =	vst v1  }
0x30: {  	[tilespmem:$0x2A30] =	vst v1  }
0x31: {  	[tilespmem:$0x2A40] =	vst v1  }
0x32: {  	[tilespmem:$0x2A50] =	vst v1  }
0x33: {  	[tilespmem:$0x2A60] =	vst v1  }
0x34: {  	[tilespmem:$0x2A70] =	vst v1  }
0x35: {  	[tilespmem:$0x2A80] =	vst v1  }
0x36: {  	[tilespmem:$0x2A90] =	vst v1  }
0x37: {  	[tilespmem:$0x2AA0] =	vst v1  }
0x38: {  	[tilespmem:$0x2AB0] =	vst v1  }
0x39: {  	[tilespmem:$0x2AC0] =	vst v1  }
0x3a: {  	[tilespmem:$0x2AD0] =	vst v1  }
0x3b: {  	[tilespmem:$0x2AE0] =	vst v1  }
0x3c: {  	[tilespmem:$0x2AF0] =	vst v1  }
0x3d: {  	[spmem:s4] =	stream.linear.scatter [tilespmem:s8], [sflag:$0x1], $0x280, $0x38;
	[tilespmem:$0x2D80] =	vst v63  }
0x3e: {  	_ =	swait.ge [sflag:s9], $0x280  }
0x3f: {  	[sflag:s9] =	ssyncset.done $0x0  }
0x40: {  	[sflag:s9] =	ssyncadd.s32 $0xFFFFFD80  }
0x41: {  	[bflag:$0x0] =	sbarrier.arrive $0xFFFF  }
0x42: {  	[tilespmem:s3], [sflag:$0x1] =	stream.linear.gather [hbm4b:s5+s3], $0x2800, $0x38;
	[tilespmem:$0x2D80] =	vst v63  }
0x43: {  	_ =	swait.ge [sflag:s9], $0x2800  }
0x44: {  	[sflag:s9] =	ssyncset.done $0x0  }
0x45: {  	s15 =	simm.s32 $0x0;
	[sflag:s9] =	ssyncadd.s32 $0xFFFFD800  }
0x46: {  	[spmem:s2] =	stream.indirect.scatter.add.f32 [tilespmem:s11], [sflag:$0x1], $0x1, s15, s10, $0xb8;
	[tilespmem:$0x2D80] =	vst v63  }
0x47: {  	_ =	swait.ge [sflag:s9], $0x80  }
0x48: {  	s15 =	simm.s32 $0x200;
	[sflag:s9] =	ssyncset.done $0x0  }
.LBB2_2:
0x49: {  	s16 =	sshra.s32 s15, $0x2;
	[sflag:s9] =	ssyncadd.s32 $0xFFFFFF80;
	p0 =	sne.s32 s15, $0x9E00  }
0x4a: {  	[spmem:s2] =	stream.indirect.scatter.add.f32 [tilespmem:s11], [sflag:$0x1], $0x1, s16, s10, $0xb8;
	[tilespmem:$0x2D80] =	vst v63  }
.Ltmp0:
0x4b: {  	_ = 	snop;
	(pc) =	sbr.rel @p0 .LBB2_2-.Ltmp0, $4  }
0x4c: {  	_ = 	snop  }
0x4d: {  	s15 =	sadd.s32 $0x200, s15  }
0x4e: {  	_ =	swait.ge [sflag:s9], $0x80  }
0x4f: {  	[sflag:s9] =	ssyncset.done $0x0  }
0x50: {  	s14 =	sadd.s32 $0x1, s14  }
0x51: {  	[sflag:s9] =	ssyncadd.s32 $0xFFFFFF80;
	p0 =	sne.s32 s14, s7  }
.Ltmp1:
0x52: {  	[bflag:$0x0] =	sbarrier.arrive $0xFFFF;
	(pc) =	sbr.rel @p0 .LBB2_1-.Ltmp1, $4  }
0x53: {  	[hbm:s6], [sflag:s12] =	dma.local [spmem:s13], $0x50  }
0x54: {  	_ =	swait.ge [sflag:s9], $0x50  }
0x55: {  	[sflag:s9] =	ssyncset.done $0x0  }
0x56: {  	[sflag:s9] =	ssyncadd.s32 $0xFFFFFFB0  }
0x57: {  	_ =	sfence.sel $0x180000  }
0x58: {  	[bflag:$0x0] =	sbarrier.arrive $0xFFFF  }
0x59: {  	p0 =	sne.s32 s0, $0x0;
	_ =	strace $0x90000047  }
0x5a: {  	s0 =	sadd.s32 @!p0 $0x100000, s1;
	[bflag:$0x2] =	sbarrier.arrive $0xFFFF  }
0x5b: {  	[sflag:s0] =	ssyncadd.tile.s32 @!p0 $0x1;
	_ =	shalt  }
.Lfunc_end2:
_tile_overlayer_lowered:
.L_overlay_start_2:
0x5c: {  	(tag) =	ssettag $0x2  }
0x5d: {  	s0 =	rddreg [dreg:$0x0];
	s2 =	stileid.u32  }
0x5e: {  	s1 =	rddreg [dreg:$0x1];
	p0 =	sne.s32 s2, $0x0  }
0x5f: {  	s3 =	rddreg [dreg:$0x2];
	[bflag:$0x3] =	sbarrier.arrive $0xFFFF;
	s2 =	simm.s32 @!p0 $0x1C01  }
0x60: {  	[timem:s3], [sflag:s2] =	dma.local @!p0 [hbm:s0], s1  }
0x61: {  	s0 =	simm.s32 @!p0 $0x1  }
0x62: {  	_ =	swait.ge @!p0 [sflag:s0], s1  }
0x63: {  	s1 =	ssub.s32 @!p0 $0x0, s1;
	[sflag:s0] =	ssyncset.done @!p0 $0x0  }
0x64: {  	[sflag:s0] =	ssyncadd.s32 @!p0 s1  }
0x65: {  	[bflag:$0x3] =	sbarrier.arrive $0xFFFF  }
0x66: {  	_ =	shalt  }

</sc_bundles>
